<compile_context>
chip_gen: v7x
topology: tpu7x:2x2x1
jax: 0.10.2.dev20260603
libtpu: 0.0.44.dev20260713+nightly
codegen_flags: <defaults>
</compile_context>

<pallas_src>
import functools

import jax
import jax.numpy as jnp
from jax import lax
from jax.experimental import pallas as pl
from jax.experimental.pallas import tpu as pltpu
from jax.experimental.pallas import tpu_sc as plsc

BATCH = 16384
EMBED_DIM = 128
GCH = 128
WCH = 256
NBUF = 3

_info = plsc.get_sparse_core_info()
_NC, _NS = _info.num_cores, _info.num_subcores
_NW = _NC * _NS
_BPW = BATCH // _NW
_NU = 2 * _BPW // WCH
_UPT = _NU // 2
_GPU = WCH // GCH


def _body(sr_hbm, tg_hbm, wsr_hbm, wtg_hbm, out_sr, out_tg,
          idx_v, bufs, gsem, wsem):
    wid = lax.axis_index("s") * _NC + lax.axis_index("c")
    base = wid * _BPW

    pltpu.sync_copy(sr_hbm.at[pl.ds(base, _BPW)], idx_v.at[pl.ds(0, _BPW)])
    pltpu.sync_copy(tg_hbm.at[pl.ds(base, _BPW)], idx_v.at[pl.ds(_BPW, _BPW)])

    def gathers(u, b):
        tbl = wsr_hbm if u < _UPT else wtg_hbm
        return [
            pltpu.async_copy(
                tbl.at[idx_v.at[pl.ds(u * WCH + k * GCH, GCH)]],
                bufs.at[b].at[pl.ds(k * GCH, GCH)],
                gsem.at[b])
            for k in range(_GPU)
        ]

    def write(u, b):
        out = out_sr if u < _UPT else out_tg
        off = base + (u % _UPT) * WCH
        return pltpu.async_copy(bufs.at[b], out.at[pl.ds(off, WCH)],
                                wsem.at[b])

    g = [None] * NBUF
    w = [None] * NBUF
    for u in range(min(NBUF, _NU)):
        g[u] = gathers(u, u)
    for u in range(_NU):
        b = u % NBUF
        for h in g[b]:
            h.wait()
        w[b] = write(u, b)
        nu = u + NBUF
        if nu < _NU:
            w[b].wait()
            g[b] = gathers(nu, b)
    for u in range(max(0, _NU - NBUF), _NU):
        w[u % NBUF].wait()


def kernel(sr_data, tg_data, W_sr, W_tg):
    run = functools.partial(
        pl.kernel,
        mesh=plsc.VectorSubcoreMesh(core_axis_name="c", subcore_axis_name="s"),
        out_type=(
            jax.ShapeDtypeStruct((BATCH, EMBED_DIM), jnp.float32),
            jax.ShapeDtypeStruct((BATCH, EMBED_DIM), jnp.float32),
        ),
        scratch_types=[
            pltpu.VMEM((2 * _BPW,), jnp.int32),
            pltpu.VMEM((NBUF, WCH, EMBED_DIM), jnp.float32),
            pltpu.SemaphoreType.DMA((NBUF,)),
            pltpu.SemaphoreType.DMA((NBUF,)),
        ],
    )(_body)
    return run(sr_data.astype(jnp.int32), tg_data.astype(jnp.int32),
               W_sr, W_tg)

# --- scband reference (transcript-rebuilt; emitter-appended) ---
"""Pipeline reference for scband-double-embedding-44487271252609 (READ-ONLY COPY).

The authoritative reference and input builder live on the scoring server;
editing this copy changes nothing except your own understanding.
"""

import jax, jax.numpy as jnp
import numpy as np
import math

NUM_SR = 100000
NUM_TG = 100000
EMBED_DIM = 128
BATCH = 16384

def setup_inputs(seed: int = 0) -> dict:
    key = jax.random.key(seed)
    k1, k2, k3, k4 = jax.random.split(key, 4)
    sr_data = jax.random.randint(k1, (BATCH,), 0, NUM_SR, dtype=jnp.int64 if jax.config.jax_enable_x64 else jnp.int32)
    tg_data = jax.random.randint(k2, (BATCH,), 0, NUM_TG, dtype=jnp.int64 if jax.config.jax_enable_x64 else jnp.int32)
    # entity init: normal with std = 1/sqrt(num_rows)
    W_sr = jax.random.normal(k3, (NUM_SR, EMBED_DIM), dtype=jnp.float32) * (1.0 / math.sqrt(NUM_SR))
    W_tg = jax.random.normal(k4, (NUM_TG, EMBED_DIM), dtype=jnp.float32) * (1.0 / math.sqrt(NUM_TG))
    return {"sr_data": sr_data, "tg_data": tg_data, "W_sr": W_sr, "W_tg": W_tg}

def reference(sr_data, tg_data, W_sr, W_tg):
    # DoubleEmbedding.forward: two independent embedding lookups
    emb_sr = jnp.take(W_sr, sr_data, axis=0)
    emb_tg = jnp.take(W_tg, tg_data, axis=0)
    return (emb_sr, emb_tg)

if __name__ == "__main__":
    import jax
    _d = setup_inputs()
    print(jax.jit(kernel)(*tuple(_d.values())))

</pallas_src>

<mosaic_0001>
#map = affine_map<(d0, d1) -> (0)>
#map1 = affine_map<(d0, d1) -> (0, 0)>
module attributes {stable_mosaic.version = 14 : i64} {
  func.func @_body(%arg0: i32, %arg1: i32, %arg2: memref<16384xi32, #tpu.memory_space<hbm>>, %arg3: memref<16384xi32, #tpu.memory_space<hbm>>, %arg4: memref<100000x128xf32, #tpu.memory_space<hbm>>, %arg5: memref<100000x128xf32, #tpu.memory_space<hbm>>, %arg6: memref<16384x128xf32, #tpu.memory_space<hbm>>, %arg7: memref<16384x128xf32, #tpu.memory_space<hbm>>, %arg8: memref<1024xi32, #tpu.memory_space<vmem>>, %arg9: memref<3x256x128xf32, #tpu.memory_space<vmem>>, %arg10: memref<3x!tpu.dma_semaphore, #tpu.memory_space<semaphore_mem>>, %arg11: memref<3x!tpu.dma_semaphore, #tpu.memory_space<semaphore_mem>>) attributes {dimension_semantics = [#tpu.dimension_semantics<core_parallel>, #tpu.dimension_semantics<subcore_parallel>], iteration_bounds = array<i64: 2, 16>, scalar_prefetch = 0 : i64, scratch_operands = 4 : i64, tpu.core_type = #tpu.core_type<sc_vector_subcore>, window_params = [{transform_indices = #map}, {transform_indices = #map}, {transform_indices = #map1}, {transform_indices = #map1}, {transform_indices = #map1}, {transform_indices = #map1}]} {
    %mul3A = arith.constant 2 : i32
    %mul3A_0 = arith.muli %arg1, %mul3A : i32
    %add3A = arith.addi %mul3A_0, %arg0 : i32
    %mul3A_1 = arith.constant 512 : i32
    %mul3A_2 = arith.muli %add3A, %mul3A_1 : i32
    "tpu.region"() ({
      %run_scoped3A = tpu.sem_alloc : memref<!tpu.dma_semaphore, #tpu.memory_space<semaphore_mem>>
      %dma_start3A_393 = arith.constant 0 : i32
      %dma_start3A_394 = tpu.memref_slice %arg8[%dma_start3A_393] : memref<1024xi32, #tpu.memory_space<vmem>> -> memref<512xi32, #tpu.memory_space<vmem>>
      %dma_start3A_395 = tpu.memref_slice %arg2[%mul3A_2] : memref<16384xi32, #tpu.memory_space<hbm>> -> memref<512xi32, #tpu.memory_space<hbm>>
      %dma_start3A_396 = arith.constant 0 : i32
      %dma_start3A_397 = tpu.memref_slice %arg8[%dma_start3A_396] : memref<1024xi32, #tpu.memory_space<vmem>> -> memref<512xi32, #tpu.memory_space<vmem>>
      %dma_start3A_398 = tpu.memref_slice %arg2[%mul3A_2] : memref<16384xi32, #tpu.memory_space<hbm>> -> memref<512xi32, #tpu.memory_space<hbm>>
      tpu.enqueue_dma source(%dma_start3A_398 : memref<512xi32, #tpu.memory_space<hbm>>) target(%dma_start3A_397 : memref<512xi32, #tpu.memory_space<vmem>>) target_semaphore(%run_scoped3A : memref<!tpu.dma_semaphore, #tpu.memory_space<semaphore_mem>>)
      %dma_wait3A_399 = arith.constant 0 : i32
      %dma_wait3A_400 = tpu.memref_slice %arg8[%dma_wait3A_399] : memref<1024xi32, #tpu.memory_space<vmem>> -> memref<512xi32, #tpu.memory_space<vmem>>
      %dma_wait3A_401 = tpu.memref_slice %arg2[%mul3A_2] : memref<16384xi32, #tpu.memory_space<hbm>> -> memref<512xi32, #tpu.memory_space<hbm>>
      %dma_wait3A_402 = arith.constant 0 : i32
      %dma_wait3A_403 = tpu.memref_slice %arg8[%dma_wait3A_402] : memref<1024xi32, #tpu.memory_space<vmem>> -> memref<512xi32, #tpu.memory_space<vmem>>
      %dma_wait3A_404 = tpu.memref_slice %arg2[%mul3A_2] : memref<16384xi32, #tpu.memory_space<hbm>> -> memref<512xi32, #tpu.memory_space<hbm>>
      tpu.wait_dma2 semaphore(%run_scoped3A : memref<!tpu.dma_semaphore, #tpu.memory_space<semaphore_mem>>) src(%dma_wait3A_404 : memref<512xi32, #tpu.memory_space<hbm>>) dst(%dma_wait3A_403 : memref<512xi32, #tpu.memory_space<vmem>>)
      tpu.yield
    }) : () -> ()
    "tpu.region"() ({
      %run_scoped3A = tpu.sem_alloc : memref<!tpu.dma_semaphore, #tpu.memory_space<semaphore_mem>>
      %dma_start3A_393 = arith.constant 512 : i32
      %dma_start3A_394 = tpu.memref_slice %arg8[%dma_start3A_393] : memref<1024xi32, #tpu.memory_space<vmem>> -> memref<512xi32, #tpu.memory_space<vmem>>
      %dma_start3A_395 = tpu.memref_slice %arg3[%mul3A_2] : memref<16384xi32, #tpu.memory_space<hbm>> -> memref<512xi32, #tpu.memory_space<hbm>>
      %dma_start3A_396 = arith.constant 512 : i32
      %dma_start3A_397 = tpu.memref_slice %arg8[%dma_start3A_396] : memref<1024xi32, #tpu.memory_space<vmem>> -> memref<512xi32, #tpu.memory_space<vmem>>
      %dma_start3A_398 = tpu.memref_slice %arg3[%mul3A_2] : memref<16384xi32, #tpu.memory_space<hbm>> -> memref<512xi32, #tpu.memory_space<hbm>>
      tpu.enqueue_dma source(%dma_start3A_398 : memref<512xi32, #tpu.memory_space<hbm>>) target(%dma_start3A_397 : memref<512xi32, #tpu.memory_space<vmem>>) target_semaphore(%run_scoped3A : memref<!tpu.dma_semaphore, #tpu.memory_space<semaphore_mem>>)
      %dma_wait3A_399 = arith.constant 512 : i32
      %dma_wait3A_400 = tpu.memref_slice %arg8[%dma_wait3A_399] : memref<1024xi32, #tpu.memory_space<vmem>> -> memref<512xi32, #tpu.memory_space<vmem>>
      %dma_wait3A_401 = tpu.memref_slice %arg3[%mul3A_2] : memref<16384xi32, #tpu.memory_space<hbm>> -> memref<512xi32, #tpu.memory_space<hbm>>
      %dma_wait3A_402 = arith.constant 512 : i32
      %dma_wait3A_403 = tpu.memref_slice %arg8[%dma_wait3A_402] : memref<1024xi32, #tpu.memory_space<vmem>> -> memref<512xi32, #tpu.memory_space<vmem>>
      %dma_wait3A_404 = tpu.memref_slice %arg3[%mul3A_2] : memref<16384xi32, #tpu.memory_space<hbm>> -> memref<512xi32, #tpu.memory_space<hbm>>
      tpu.wait_dma2 semaphore(%run_scoped3A : memref<!tpu.dma_semaphore, #tpu.memory_space<semaphore_mem>>) src(%dma_wait3A_404 : memref<512xi32, #tpu.memory_space<hbm>>) dst(%dma_wait3A_403 : memref<512xi32, #tpu.memory_space<vmem>>)
      tpu.yield
    }) : () -> ()
    %dma_start3A = arith.constant 0 : i32
    %dma_start3A_3 = arith.constant 0 : i32
    %dma_start3A_4 = arith.constant 0 : i32
    %dma_start3A_5 = arith.constant 0 : i32
    %dma_start3A_6 = tpu.memref_slice %arg9[%dma_start3A, %dma_start3A_4, %dma_start3A_5] : memref<3x256x128xf32, #tpu.memory_space<vmem>> -> memref<1x256x128xf32, #tpu.memory_space<vmem>>
    %dma_start3A_7 = tpu.memref_squeeze %dma_start3A_6 : memref<1x256x128xf32, #tpu.memory_space<vmem>> -> memref<256x128xf32, #tpu.memory_space<vmem>>
    %dma_start3A_8 = arith.constant 0 : i32
    %dma_start3A_9 = arith.constant 0 : i32
    %dma_start3A_10 = tpu.memref_slice %dma_start3A_7[%dma_start3A_8, %dma_start3A_9] : memref<256x128xf32, #tpu.memory_space<vmem>> -> memref<128x128xf32, #tpu.memory_space<vmem>>
    %dma_start3A_11 = arith.constant 0 : i32
    %dma_start3A_12 = tpu.memref_slice %arg8[%dma_start3A_11] : memref<1024xi32, #tpu.memory_space<vmem>> -> memref<128xi32, #tpu.memory_space<vmem>>
    %dma_start3A_13 = arith.constant 0 : i32
    %dma_start3A_14 = arith.constant 0 : i32
    %dma_start3A_15 = tpu.memref_slice %arg4[%dma_start3A_13, %dma_start3A_14] : memref<100000x128xf32, #tpu.memory_space<hbm>> -> memref<100000x128xf32, #tpu.memory_space<hbm>>
    %dma_start3A_16 = tpu.memref_slice %arg10[%dma_start3A_3] : memref<3x!tpu.dma_semaphore, #tpu.memory_space<semaphore_mem>> -> memref<1x!tpu.dma_semaphore, #tpu.memory_space<semaphore_mem>>
    %dma_start3A_17 = tpu.memref_squeeze %dma_start3A_16 : memref<1x!tpu.dma_semaphore, #tpu.memory_space<semaphore_mem>> -> memref<!tpu.dma_semaphore, #tpu.memory_space<semaphore_mem>>
    tpu.enqueue_indirect_dma source(%dma_start3A_15 : memref<100000x128xf32, #tpu.memory_space<hbm>>) target(%dma_start3A_10 : memref<128x128xf32, #tpu.memory_space<vmem>>) offsets(%dma_start3A_12 : memref<128xi32, #tpu.memory_space<vmem>>) semaphore(%dma_start3A_17 : memref<!tpu.dma_semaphore, #tpu.memory_space<semaphore_mem>>)
    %dma_start3A_18 = arith.constant 0 : i32
    %dma_start3A_19 = arith.constant 0 : i32
    %dma_start3A_20 = arith.constant 0 : i32
    %dma_start3A_21 = arith.constant 0 : i32
    %dma_start3A_22 = tpu.memref_slice %arg9[%dma_start3A_18, %dma_start3A_20, %dma_start3A_21] : memref<3x256x128xf32, #tpu.memory_space<vmem>> -> memref<1x256x128xf32, #tpu.memory_space<vmem>>
    %dma_start3A_23 = tpu.memref_squeeze %dma_start3A_22 : memref<1x256x128xf32, #tpu.memory_space<vmem>> -> memref<256x128xf32, #tpu.memory_space<vmem>>
    %dma_start3A_24 = arith.constant 128 : i32
    %dma_start3A_25 = arith.constant 0 : i32
    %dma_start3A_26 = tpu.memref_slice %dma_start3A_23[%dma_start3A_24, %dma_start3A_25] : memref<256x128xf32, #tpu.memory_space<vmem>> -> memref<128x128xf32, #tpu.memory_space<vmem>>
    %dma_start3A_27 = arith.constant 128 : i32
    %dma_start3A_28 = tpu.memref_slice %arg8[%dma_start3A_27] : memref<1024xi32, #tpu.memory_space<vmem>> -> memref<128xi32, #tpu.memory_space<vmem>>
    %dma_start3A_29 = arith.constant 0 : i32
    %dma_start3A_30 = arith.constant 0 : i32
    %dma_start3A_31 = tpu.memref_slice %arg4[%dma_start3A_29, %dma_start3A_30] : memref<100000x128xf32, #tpu.memory_space<hbm>> -> memref<100000x128xf32, #tpu.memory_space<hbm>>
    %dma_start3A_32 = tpu.memref_slice %arg10[%dma_start3A_19] : memref<3x!tpu.dma_semaphore, #tpu.memory_space<semaphore_mem>> -> memref<1x!tpu.dma_semaphore, #tpu.memory_space<semaphore_mem>>
    %dma_start3A_33 = tpu.memref_squeeze %dma_start3A_32 : memref<1x!tpu.dma_semaphore, #tpu.memory_space<semaphore_mem>> -> memref<!tpu.dma_semaphore, #tpu.memory_space<semaphore_mem>>
    tpu.enqueue_indirect_dma source(%dma_start3A_31 : memref<100000x128xf32, #tpu.memory_space<hbm>>) target(%dma_start3A_26 : memref<128x128xf32, #tpu.memory_space<vmem>>) offsets(%dma_start3A_28 : memref<128xi32, #tpu.memory_space<vmem>>) semaphore(%dma_start3A_33 : memref<!tpu.dma_semaphore, #tpu.memory_space<semaphore_mem>>)
    %dma_start3A_34 = arith.constant 1 : i32
    %dma_start3A_35 = arith.constant 1 : i32
    %dma_start3A_36 = arith.constant 0 : i32
    %dma_start3A_37 = arith.constant 0 : i32
    %dma_start3A_38 = tpu.memref_slice %arg9[%dma_start3A_34, %dma_start3A_36, %dma_start3A_37] : memref<3x256x128xf32, #tpu.memory_space<vmem>> -> memref<1x256x128xf32, #tpu.memory_space<vmem>>
    %dma_start3A_39 = tpu.memref_squeeze %dma_start3A_38 : memref<1x256x128xf32, #tpu.memory_space<vmem>> -> memref<256x128xf32, #tpu.memory_space<vmem>>
    %dma_start3A_40 = arith.constant 0 : i32
    %dma_start3A_41 = arith.constant 0 : i32
    %dma_start3A_42 = tpu.memref_slice %dma_start3A_39[%dma_start3A_40, %dma_start3A_41] : memref<256x128xf32, #tpu.memory_space<vmem>> -> memref<128x128xf32, #tpu.memory_space<vmem>>
    %dma_start3A_43 = arith.constant 256 : i32
    %dma_start3A_44 = tpu.memref_slice %arg8[%dma_start3A_43] : memref<1024xi32, #tpu.memory_space<vmem>> -> memref<128xi32, #tpu.memory_space<vmem>>
    %dma_start3A_45 = arith.constant 0 : i32
    %dma_start3A_46 = arith.constant 0 : i32
    %dma_start3A_47 = tpu.memref_slice %arg4[%dma_start3A_45, %dma_start3A_46] : memref<100000x128xf32, #tpu.memory_space<hbm>> -> memref<100000x128xf32, #tpu.memory_space<hbm>>
    %dma_start3A_48 = tpu.memref_slice %arg10[%dma_start3A_35] : memref<3x!tpu.dma_semaphore, #tpu.memory_space<semaphore_mem>> -> memref<1x!tpu.dma_semaphore, #tpu.memory_space<semaphore_mem>>
    %dma_start3A_49 = tpu.memref_squeeze %dma_start3A_48 : memref<1x!tpu.dma_semaphore, #tpu.memory_space<semaphore_mem>> -> memref<!tpu.dma_semaphore, #tpu.memory_space<semaphore_mem>>
    tpu.enqueue_indirect_dma source(%dma_start3A_47 : memref<100000x128xf32, #tpu.memory_space<hbm>>) target(%dma_start3A_42 : memref<128x128xf32, #tpu.memory_space<vmem>>) offsets(%dma_start3A_44 : memref<128xi32, #tpu.memory_space<vmem>>) semaphore(%dma_start3A_49 : memref<!tpu.dma_semaphore, #tpu.memory_space<semaphore_mem>>)
    %dma_start3A_50 = arith.constant 1 : i32
    %dma_start3A_51 = arith.constant 1 : i32
    %dma_start3A_52 = arith.constant 0 : i32
    %dma_start3A_53 = arith.constant 0 : i32
    %dma_start3A_54 = tpu.memref_slice %arg9[%dma_start3A_50, %dma_start3A_52, %dma_start3A_53] : memref<3x256x128xf32, #tpu.memory_space<vmem>> -> memref<1x256x128xf32, #tpu.memory_space<vmem>>
    %dma_start3A_55 = tpu.memref_squeeze %dma_start3A_54 : memref<1x256x128xf32, #tpu.memory_space<vmem>> -> memref<256x128xf32, #tpu.memory_space<vmem>>
    %dma_start3A_56 = arith.constant 128 : i32
    %dma_start3A_57 = arith.constant 0 : i32
    %dma_start3A_58 = tpu.memref_slice %dma_start3A_55[%dma_start3A_56, %dma_start3A_57] : memref<256x128xf32, #tpu.memory_space<vmem>> -> memref<128x128xf32, #tpu.memory_space<vmem>>
    %dma_start3A_59 = arith.constant 384 : i32
    %dma_start3A_60 = tpu.memref_slice %arg8[%dma_start3A_59] : memref<1024xi32, #tpu.memory_space<vmem>> -> memref<128xi32, #tpu.memory_space<vmem>>
    %dma_start3A_61 = arith.constant 0 : i32
    %dma_start3A_62 = arith.constant 0 : i32
    %dma_start3A_63 = tpu.memref_slice %arg4[%dma_start3A_61, %dma_start3A_62] : memref<100000x128xf32, #tpu.memory_space<hbm>> -> memref<100000x128xf32, #tpu.memory_space<hbm>>
    %dma_start3A_64 = tpu.memref_slice %arg10[%dma_start3A_51] : memref<3x!tpu.dma_semaphore, #tpu.memory_space<semaphore_mem>> -> memref<1x!tpu.dma_semaphore, #tpu.memory_space<semaphore_mem>>
    %dma_start3A_65 = tpu.memref_squeeze %dma_start3A_64 : memref<1x!tpu.dma_semaphore, #tpu.memory_space<semaphore_mem>> -> memref<!tpu.dma_semaphore, #tpu.memory_space<semaphore_mem>>
    tpu.enqueue_indirect_dma source(%dma_start3A_63 : memref<100000x128xf32, #tpu.memory_space<hbm>>) target(%dma_start3A_58 : memref<128x128xf32, #tpu.memory_space<vmem>>) offsets(%dma_start3A_60 : memref<128xi32, #tpu.memory_space<vmem>>) semaphore(%dma_start3A_65 : memref<!tpu.dma_semaphore, #tpu.memory_space<semaphore_mem>>)
    %dma_start3A_66 = arith.constant 2 : i32
    %dma_start3A_67 = arith.constant 2 : i32
    %dma_start3A_68 = arith.constant 0 : i32
    %dma_start3A_69 = arith.constant 0 : i32
    %dma_start3A_70 = tpu.memref_slice %arg9[%dma_start3A_66, %dma_start3A_68, %dma_start3A_69] : memref<3x256x128xf32, #tpu.memory_space<vmem>> -> memref<1x256x128xf32, #tpu.memory_space<vmem>>
    %dma_start3A_71 = tpu.memref_squeeze %dma_start3A_70 : memref<1x256x128xf32, #tpu.memory_space<vmem>> -> memref<256x128xf32, #tpu.memory_space<vmem>>
    %dma_start3A_72 = arith.constant 0 : i32
    %dma_start3A_73 = arith.constant 0 : i32
    %dma_start3A_74 = tpu.memref_slice %dma_start3A_71[%dma_start3A_72, %dma_start3A_73] : memref<256x128xf32, #tpu.memory_space<vmem>> -> memref<128x128xf32, #tpu.memory_space<vmem>>
    %dma_start3A_75 = arith.constant 512 : i32
    %dma_start3A_76 = tpu.memref_slice %arg8[%dma_start3A_75] : memref<1024xi32, #tpu.memory_space<vmem>> -> memref<128xi32, #tpu.memory_space<vmem>>
    %dma_start3A_77 = arith.constant 0 : i32
    %dma_start3A_78 = arith.constant 0 : i32
    %dma_start3A_79 = tpu.memref_slice %arg5[%dma_start3A_77, %dma_start3A_78] : memref<100000x128xf32, #tpu.memory_space<hbm>> -> memref<100000x128xf32, #tpu.memory_space<hbm>>
    %dma_start3A_80 = tpu.memref_slice %arg10[%dma_start3A_67] : memref<3x!tpu.dma_semaphore, #tpu.memory_space<semaphore_mem>> -> memref<1x!tpu.dma_semaphore, #tpu.memory_space<semaphore_mem>>
    %dma_start3A_81 = tpu.memref_squeeze %dma_start3A_80 : memref<1x!tpu.dma_semaphore, #tpu.memory_space<semaphore_mem>> -> memref<!tpu.dma_semaphore, #tpu.memory_space<semaphore_mem>>
    tpu.enqueue_indirect_dma source(%dma_start3A_79 : memref<100000x128xf32, #tpu.memory_space<hbm>>) target(%dma_start3A_74 : memref<128x128xf32, #tpu.memory_space<vmem>>) offsets(%dma_start3A_76 : memref<128xi32, #tpu.memory_space<vmem>>) semaphore(%dma_start3A_81 : memref<!tpu.dma_semaphore, #tpu.memory_space<semaphore_mem>>)
    %dma_start3A_82 = arith.constant 2 : i32
    %dma_start3A_83 = arith.constant 2 : i32
    %dma_start3A_84 = arith.constant 0 : i32
    %dma_start3A_85 = arith.constant 0 : i32
    %dma_start3A_86 = tpu.memref_slice %arg9[%dma_start3A_82, %dma_start3A_84, %dma_start3A_85] : memref<3x256x128xf32, #tpu.memory_space<vmem>> -> memref<1x256x128xf32, #tpu.memory_space<vmem>>
    %dma_start3A_87 = tpu.memref_squeeze %dma_start3A_86 : memref<1x256x128xf32, #tpu.memory_space<vmem>> -> memref<256x128xf32, #tpu.memory_space<vmem>>
    %dma_start3A_88 = arith.constant 128 : i32
    %dma_start3A_89 = arith.constant 0 : i32
    %dma_start3A_90 = tpu.memref_slice %dma_start3A_87[%dma_start3A_88, %dma_start3A_89] : memref<256x128xf32, #tpu.memory_space<vmem>> -> memref<128x128xf32, #tpu.memory_space<vmem>>
    %dma_start3A_91 = arith.constant 640 : i32
    %dma_start3A_92 = tpu.memref_slice %arg8[%dma_start3A_91] : memref<1024xi32, #tpu.memory_space<vmem>> -> memref<128xi32, #tpu.memory_space<vmem>>
    %dma_start3A_93 = arith.constant 0 : i32
    %dma_start3A_94 = arith.constant 0 : i32
    %dma_start3A_95 = tpu.memref_slice %arg5[%dma_start3A_93, %dma_start3A_94] : memref<100000x128xf32, #tpu.memory_space<hbm>> -> memref<100000x128xf32, #tpu.memory_space<hbm>>
    %dma_start3A_96 = tpu.memref_slice %arg10[%dma_start3A_83] : memref<3x!tpu.dma_semaphore, #tpu.memory_space<semaphore_mem>> -> memref<1x!tpu.dma_semaphore, #tpu.memory_space<semaphore_mem>>
    %dma_start3A_97 = tpu.memref_squeeze %dma_start3A_96 : memref<1x!tpu.dma_semaphore, #tpu.memory_space<semaphore_mem>> -> memref<!tpu.dma_semaphore, #tpu.memory_space<semaphore_mem>>
    tpu.enqueue_indirect_dma source(%dma_start3A_95 : memref<100000x128xf32, #tpu.memory_space<hbm>>) target(%dma_start3A_90 : memref<128x128xf32, #tpu.memory_space<vmem>>) offsets(%dma_start3A_92 : memref<128xi32, #tpu.memory_space<vmem>>) semaphore(%dma_start3A_97 : memref<!tpu.dma_semaphore, #tpu.memory_space<semaphore_mem>>)
    %dma_wait3A = arith.constant 0 : i32
    %dma_wait3A_98 = arith.constant 0 : i32
    %dma_wait3A_99 = arith.constant 0 : i32
    %dma_wait3A_100 = arith.constant 0 : i32
    %dma_wait3A_101 = tpu.memref_slice %arg9[%dma_wait3A, %dma_wait3A_99, %dma_wait3A_100] : memref<3x256x128xf32, #tpu.memory_space<vmem>> -> memref<1x256x128xf32, #tpu.memory_space<vmem>>
    %dma_wait3A_102 = tpu.memref_squeeze %dma_wait3A_101 : memref<1x256x128xf32, #tpu.memory_space<vmem>> -> memref<256x128xf32, #tpu.memory_space<vmem>>
    %dma_wait3A_103 = arith.constant 0 : i32
    %dma_wait3A_104 = arith.constant 0 : i32
    %dma_wait3A_105 = tpu.memref_slice %dma_wait3A_102[%dma_wait3A_103, %dma_wait3A_104] : memref<256x128xf32, #tpu.memory_space<vmem>> -> memref<128x128xf32, #tpu.memory_space<vmem>>
    %dma_wait3A_106 = arith.constant 0 : i32
    %dma_wait3A_107 = tpu.memref_slice %arg8[%dma_wait3A_106] : memref<1024xi32, #tpu.memory_space<vmem>> -> memref<128xi32, #tpu.memory_space<vmem>>
    %dma_wait3A_108 = arith.constant 0 : i32
    %dma_wait3A_109 = arith.constant 0 : i32
    %dma_wait3A_110 = tpu.memref_slice %arg4[%dma_wait3A_108, %dma_wait3A_109] : memref<100000x128xf32, #tpu.memory_space<hbm>> -> memref<100000x128xf32, #tpu.memory_space<hbm>>
    %dma_wait3A_111 = tpu.memref_slice %arg10[%dma_wait3A_98] : memref<3x!tpu.dma_semaphore, #tpu.memory_space<semaphore_mem>> -> memref<1x!tpu.dma_semaphore, #tpu.memory_space<semaphore_mem>>
    %dma_wait3A_112 = tpu.memref_squeeze %dma_wait3A_111 : memref<1x!tpu.dma_semaphore, #tpu.memory_space<semaphore_mem>> -> memref<!tpu.dma_semaphore, #tpu.memory_space<semaphore_mem>>
    tpu.wait_indirect_dma semaphore(%dma_wait3A_112 : memref<!tpu.dma_semaphore, #tpu.memory_space<semaphore_mem>>) src(%dma_wait3A_110 : memref<100000x128xf32, #tpu.memory_space<hbm>>) dst(%dma_wait3A_105 : memref<128x128xf32, #tpu.memory_space<vmem>>)
    %dma_wait3A_113 = arith.constant 0 : i32
    %dma_wait3A_114 = arith.constant 0 : i32
    %dma_wait3A_115 = arith.constant 0 : i32
    %dma_wait3A_116 = arith.constant 0 : i32
    %dma_wait3A_117 = tpu.memref_slice %arg9[%dma_wait3A_113, %dma_wait3A_115, %dma_wait3A_116] : memref<3x256x128xf32, #tpu.memory_space<vmem>> -> memref<1x256x128xf32, #tpu.memory_space<vmem>>
    %dma_wait3A_118 = tpu.memref_squeeze %dma_wait3A_117 : memref<1x256x128xf32, #tpu.memory_space<vmem>> -> memref<256x128xf32, #tpu.memory_space<vmem>>
    %dma_wait3A_119 = arith.constant 128 : i32
    %dma_wait3A_120 = arith.constant 0 : i32
    %dma_wait3A_121 = tpu.memref_slice %dma_wait3A_118[%dma_wait3A_119, %dma_wait3A_120] : memref<256x128xf32, #tpu.memory_space<vmem>> -> memref<128x128xf32, #tpu.memory_space<vmem>>
    %dma_wait3A_122 = arith.constant 128 : i32
    %dma_wait3A_123 = tpu.memref_slice %arg8[%dma_wait3A_122] : memref<1024xi32, #tpu.memory_space<vmem>> -> memref<128xi32, #tpu.memory_space<vmem>>
    %dma_wait3A_124 = arith.constant 0 : i32
    %dma_wait3A_125 = arith.constant 0 : i32
    %dma_wait3A_126 = tpu.memref_slice %arg4[%dma_wait3A_124, %dma_wait3A_125] : memref<100000x128xf32, #tpu.memory_space<hbm>> -> memref<100000x128xf32, #tpu.memory_space<hbm>>
    %dma_wait3A_127 = tpu.memref_slice %arg10[%dma_wait3A_114] : memref<3x!tpu.dma_semaphore, #tpu.memory_space<semaphore_mem>> -> memref<1x!tpu.dma_semaphore, #tpu.memory_space<semaphore_mem>>
    %dma_wait3A_128 = tpu.memref_squeeze %dma_wait3A_127 : memref<1x!tpu.dma_semaphore, #tpu.memory_space<semaphore_mem>> -> memref<!tpu.dma_semaphore, #tpu.memory_space<semaphore_mem>>
    tpu.wait_indirect_dma semaphore(%dma_wait3A_128 : memref<!tpu.dma_semaphore, #tpu.memory_space<semaphore_mem>>) src(%dma_wait3A_126 : memref<100000x128xf32, #tpu.memory_space<hbm>>) dst(%dma_wait3A_121 : memref<128x128xf32, #tpu.memory_space<vmem>>)
    %add3A_129 = arith.constant 0 : i32
    %add3A_130 = arith.addi %mul3A_2, %add3A_129 : i32
    %dma_start3A_131 = arith.constant 0 : i32
    %dma_start3A_132 = arith.constant 0 : i32
    %dma_start3A_133 = arith.constant 0 : i32
    %dma_start3A_134 = arith.constant 0 : i32
    %dma_start3A_135 = tpu.memref_slice %arg9[%dma_start3A_131, %dma_start3A_133, %dma_start3A_134] : memref<3x256x128xf32, #tpu.memory_space<vmem>> -> memref<1x256x128xf32, #tpu.memory_space<vmem>>
    %dma_start3A_136 = tpu.memref_squeeze %dma_start3A_135 : memref<1x256x128xf32, #tpu.memory_space<vmem>> -> memref<256x128xf32, #tpu.memory_space<vmem>>
    %dma_start3A_137 = arith.constant 0 : i32
    %dma_start3A_138 = tpu.memref_slice %arg6[%add3A_130, %dma_start3A_137] : memref<16384x128xf32, #tpu.memory_space<hbm>> -> memref<256x128xf32, #tpu.memory_space<hbm>>
    %dma_start3A_139 = tpu.memref_slice %arg11[%dma_start3A_132] : memref<3x!tpu.dma_semaphore, #tpu.memory_space<semaphore_mem>> -> memref<1x!tpu.dma_semaphore, #tpu.memory_space<semaphore_mem>>
    %dma_start3A_140 = tpu.memref_squeeze %dma_start3A_139 : memref<1x!tpu.dma_semaphore, #tpu.memory_space<semaphore_mem>> -> memref<!tpu.dma_semaphore, #tpu.memory_space<semaphore_mem>>
    %dma_start3A_141 = arith.constant 0 : i32
    %dma_start3A_142 = tpu.memref_slice %arg6[%add3A_130, %dma_start3A_141] : memref<16384x128xf32, #tpu.memory_space<hbm>> -> memref<256x128xf32, #tpu.memory_space<hbm>>
    %dma_start3A_143 = arith.constant 0 : i32
    %dma_start3A_144 = arith.constant 0 : i32
    %dma_start3A_145 = tpu.memref_slice %arg9[%dma_start3A_131, %dma_start3A_143, %dma_start3A_144] : memref<3x256x128xf32, #tpu.memory_space<vmem>> -> memref<1x256x128xf32, #tpu.memory_space<vmem>>
    %dma_start3A_146 = tpu.memref_squeeze %dma_start3A_145 : memref<1x256x128xf32, #tpu.memory_space<vmem>> -> memref<256x128xf32, #tpu.memory_space<vmem>>
    tpu.enqueue_dma source(%dma_start3A_146 : memref<256x128xf32, #tpu.memory_space<vmem>>) target(%dma_start3A_142 : memref<256x128xf32, #tpu.memory_space<hbm>>) target_semaphore(%dma_start3A_140 : memref<!tpu.dma_semaphore, #tpu.memory_space<semaphore_mem>>)
    %dma_wait3A_147 = arith.constant 0 : i32
    %dma_wait3A_148 = arith.constant 0 : i32
    %dma_wait3A_149 = arith.constant 0 : i32
    %dma_wait3A_150 = arith.constant 0 : i32
    %dma_wait3A_151 = tpu.memref_slice %arg9[%dma_wait3A_147, %dma_wait3A_149, %dma_wait3A_150] : memref<3x256x128xf32, #tpu.memory_space<vmem>> -> memref<1x256x128xf32, #tpu.memory_space<vmem>>
    %dma_wait3A_152 = tpu.memref_squeeze %dma_wait3A_151 : memref<1x256x128xf32, #tpu.memory_space<vmem>> -> memref<256x128xf32, #tpu.memory_space<vmem>>
    %dma_wait3A_153 = arith.constant 0 : i32
    %dma_wait3A_154 = tpu.memref_slice %arg6[%add3A_130, %dma_wait3A_153] : memref<16384x128xf32, #tpu.memory_space<hbm>> -> memref<256x128xf32, #tpu.memory_space<hbm>>
    %dma_wait3A_155 = tpu.memref_slice %arg11[%dma_wait3A_148] : memref<3x!tpu.dma_semaphore, #tpu.memory_space<semaphore_mem>> -> memref<1x!tpu.dma_semaphore, #tpu.memory_space<semaphore_mem>>
    %dma_wait3A_156 = tpu.memref_squeeze %dma_wait3A_155 : memref<1x!tpu.dma_semaphore, #tpu.memory_space<semaphore_mem>> -> memref<!tpu.dma_semaphore, #tpu.memory_space<semaphore_mem>>
    %dma_wait3A_157 = arith.constant 0 : i32
    %dma_wait3A_158 = tpu.memref_slice %arg6[%add3A_130, %dma_wait3A_157] : memref<16384x128xf32, #tpu.memory_space<hbm>> -> memref<256x128xf32, #tpu.memory_space<hbm>>
    %dma_wait3A_159 = arith.constant 0 : i32
    %dma_wait3A_160 = arith.constant 0 : i32
    %dma_wait3A_161 = tpu.memref_slice %arg9[%dma_wait3A_147, %dma_wait3A_159, %dma_wait3A_160] : memref<3x256x128xf32, #tpu.memory_space<vmem>> -> memref<1x256x128xf32, #tpu.memory_space<vmem>>
    %dma_wait3A_162 = tpu.memref_squeeze %dma_wait3A_161 : memref<1x256x128xf32, #tpu.memory_space<vmem>> -> memref<256x128xf32, #tpu.memory_space<vmem>>
    tpu.wait_dma2 semaphore(%dma_wait3A_156 : memref<!tpu.dma_semaphore, #tpu.memory_space<semaphore_mem>>) src(%dma_wait3A_162 : memref<256x128xf32, #tpu.memory_space<vmem>>) dst(%dma_wait3A_158 : memref<256x128xf32, #tpu.memory_space<hbm>>)
    %dma_start3A_163 = arith.constant 0 : i32
    %dma_start3A_164 = arith.constant 0 : i32
    %dma_start3A_165 = arith.constant 0 : i32
    %dma_start3A_166 = arith.constant 0 : i32
    %dma_start3A_167 = tpu.memref_slice %arg9[%dma_start3A_163, %dma_start3A_165, %dma_start3A_166] : memref<3x256x128xf32, #tpu.memory_space<vmem>> -> memref<1x256x128xf32, #tpu.memory_space<vmem>>
    %dma_start3A_168 = tpu.memref_squeeze %dma_start3A_167 : memref<1x256x128xf32, #tpu.memory_space<vmem>> -> memref<256x128xf32, #tpu.memory_space<vmem>>
    %dma_start3A_169 = arith.constant 0 : i32
    %dma_start3A_170 = arith.constant 0 : i32
    %dma_start3A_171 = tpu.memref_slice %dma_start3A_168[%dma_start3A_169, %dma_start3A_170] : memref<256x128xf32, #tpu.memory_space<vmem>> -> memref<128x128xf32, #tpu.memory_space<vmem>>
    %dma_start3A_172 = arith.constant 768 : i32
    %dma_start3A_173 = tpu.memref_slice %arg8[%dma_start3A_172] : memref<1024xi32, #tpu.memory_space<vmem>> -> memref<128xi32, #tpu.memory_space<vmem>>
    %dma_start3A_174 = arith.constant 0 : i32
    %dma_start3A_175 = arith.constant 0 : i32
    %dma_start3A_176 = tpu.memref_slice %arg5[%dma_start3A_174, %dma_start3A_175] : memref<100000x128xf32, #tpu.memory_space<hbm>> -> memref<100000x128xf32, #tpu.memory_space<hbm>>
    %dma_start3A_177 = tpu.memref_slice %arg10[%dma_start3A_164] : memref<3x!tpu.dma_semaphore, #tpu.memory_space<semaphore_mem>> -> memref<1x!tpu.dma_semaphore, #tpu.memory_space<semaphore_mem>>
    %dma_start3A_178 = tpu.memref_squeeze %dma_start3A_177 : memref<1x!tpu.dma_semaphore, #tpu.memory_space<semaphore_mem>> -> memref<!tpu.dma_semaphore, #tpu.memory_space<semaphore_mem>>
    tpu.enqueue_indirect_dma source(%dma_start3A_176 : memref<100000x128xf32, #tpu.memory_space<hbm>>) target(%dma_start3A_171 : memref<128x128xf32, #tpu.memory_space<vmem>>) offsets(%dma_start3A_173 : memref<128xi32, #tpu.memory_space<vmem>>) semaphore(%dma_start3A_178 : memref<!tpu.dma_semaphore, #tpu.memory_space<semaphore_mem>>)
    %dma_start3A_179 = arith.constant 0 : i32
    %dma_start3A_180 = arith.constant 0 : i32
    %dma_start3A_181 = arith.constant 0 : i32
    %dma_start3A_182 = arith.constant 0 : i32
    %dma_start3A_183 = tpu.memref_slice %arg9[%dma_start3A_179, %dma_start3A_181, %dma_start3A_182] : memref<3x256x128xf32, #tpu.memory_space<vmem>> -> memref<1x256x128xf32, #tpu.memory_space<vmem>>
    %dma_start3A_184 = tpu.memref_squeeze %dma_start3A_183 : memref<1x256x128xf32, #tpu.memory_space<vmem>> -> memref<256x128xf32, #tpu.memory_space<vmem>>
    %dma_start3A_185 = arith.constant 128 : i32
    %dma_start3A_186 = arith.constant 0 : i32
    %dma_start3A_187 = tpu.memref_slice %dma_start3A_184[%dma_start3A_185, %dma_start3A_186] : memref<256x128xf32, #tpu.memory_space<vmem>> -> memref<128x128xf32, #tpu.memory_space<vmem>>
    %dma_start3A_188 = arith.constant 896 : i32
    %dma_start3A_189 = tpu.memref_slice %arg8[%dma_start3A_188] : memref<1024xi32, #tpu.memory_space<vmem>> -> memref<128xi32, #tpu.memory_space<vmem>>
    %dma_start3A_190 = arith.constant 0 : i32
    %dma_start3A_191 = arith.constant 0 : i32
    %dma_start3A_192 = tpu.memref_slice %arg5[%dma_start3A_190, %dma_start3A_191] : memref<100000x128xf32, #tpu.memory_space<hbm>> -> memref<100000x128xf32, #tpu.memory_space<hbm>>
    %dma_start3A_193 = tpu.memref_slice %arg10[%dma_start3A_180] : memref<3x!tpu.dma_semaphore, #tpu.memory_space<semaphore_mem>> -> memref<1x!tpu.dma_semaphore, #tpu.memory_space<semaphore_mem>>
    %dma_start3A_194 = tpu.memref_squeeze %dma_start3A_193 : memref<1x!tpu.dma_semaphore, #tpu.memory_space<semaphore_mem>> -> memref<!tpu.dma_semaphore, #tpu.memory_space<semaphore_mem>>
    tpu.enqueue_indirect_dma source(%dma_start3A_192 : memref<100000x128xf32, #tpu.memory_space<hbm>>) target(%dma_start3A_187 : memref<128x128xf32, #tpu.memory_space<vmem>>) offsets(%dma_start3A_189 : memref<128xi32, #tpu.memory_space<vmem>>) semaphore(%dma_start3A_194 : memref<!tpu.dma_semaphore, #tpu.memory_space<semaphore_mem>>)
    %dma_wait3A_195 = arith.constant 1 : i32
    %dma_wait3A_196 = arith.constant 1 : i32
    %dma_wait3A_197 = arith.constant 0 : i32
    %dma_wait3A_198 = arith.constant 0 : i32
    %dma_wait3A_199 = tpu.memref_slice %arg9[%dma_wait3A_195, %dma_wait3A_197, %dma_wait3A_198] : memref<3x256x128xf32, #tpu.memory_space<vmem>> -> memref<1x256x128xf32, #tpu.memory_space<vmem>>
    %dma_wait3A_200 = tpu.memref_squeeze %dma_wait3A_199 : memref<1x256x128xf32, #tpu.memory_space<vmem>> -> memref<256x128xf32, #tpu.memory_space<vmem>>
    %dma_wait3A_201 = arith.constant 0 : i32
    %dma_wait3A_202 = arith.constant 0 : i32
    %dma_wait3A_203 = tpu.memref_slice %dma_wait3A_200[%dma_wait3A_201, %dma_wait3A_202] : memref<256x128xf32, #tpu.memory_space<vmem>> -> memref<128x128xf32, #tpu.memory_space<vmem>>
    %dma_wait3A_204 = arith.constant 256 : i32
    %dma_wait3A_205 = tpu.memref_slice %arg8[%dma_wait3A_204] : memref<1024xi32, #tpu.memory_space<vmem>> -> memref<128xi32, #tpu.memory_space<vmem>>
    %dma_wait3A_206 = arith.constant 0 : i32
    %dma_wait3A_207 = arith.constant 0 : i32
    %dma_wait3A_208 = tpu.memref_slice %arg4[%dma_wait3A_206, %dma_wait3A_207] : memref<100000x128xf32, #tpu.memory_space<hbm>> -> memref<100000x128xf32, #tpu.memory_space<hbm>>
    %dma_wait3A_209 = tpu.memref_slice %arg10[%dma_wait3A_196] : memref<3x!tpu.dma_semaphore, #tpu.memory_space<semaphore_mem>> -> memref<1x!tpu.dma_semaphore, #tpu.memory_space<semaphore_mem>>
    %dma_wait3A_210 = tpu.memref_squeeze %dma_wait3A_209 : memref<1x!tpu.dma_semaphore, #tpu.memory_space<semaphore_mem>> -> memref<!tpu.dma_semaphore, #tpu.memory_space<semaphore_mem>>
    tpu.wait_indirect_dma semaphore(%dma_wait3A_210 : memref<!tpu.dma_semaphore, #tpu.memory_space<semaphore_mem>>) src(%dma_wait3A_208 : memref<100000x128xf32, #tpu.memory_space<hbm>>) dst(%dma_wait3A_203 : memref<128x128xf32, #tpu.memory_space<vmem>>)
    %dma_wait3A_211 = arith.constant 1 : i32
    %dma_wait3A_212 = arith.constant 1 : i32
    %dma_wait3A_213 = arith.constant 0 : i32
    %dma_wait3A_214 = arith.constant 0 : i32
    %dma_wait3A_215 = tpu.memref_slice %arg9[%dma_wait3A_211, %dma_wait3A_213, %dma_wait3A_214] : memref<3x256x128xf32, #tpu.memory_space<vmem>> -> memref<1x256x128xf32, #tpu.memory_space<vmem>>
    %dma_wait3A_216 = tpu.memref_squeeze %dma_wait3A_215 : memref<1x256x128xf32, #tpu.memory_space<vmem>> -> memref<256x128xf32, #tpu.memory_space<vmem>>
    %dma_wait3A_217 = arith.constant 128 : i32
    %dma_wait3A_218 = arith.constant 0 : i32
    %dma_wait3A_219 = tpu.memref_slice %dma_wait3A_216[%dma_wait3A_217, %dma_wait3A_218] : memref<256x128xf32, #tpu.memory_space<vmem>> -> memref<128x128xf32, #tpu.memory_space<vmem>>
    %dma_wait3A_220 = arith.constant 384 : i32
    %dma_wait3A_221 = tpu.memref_slice %arg8[%dma_wait3A_220] : memref<1024xi32, #tpu.memory_space<vmem>> -> memref<128xi32, #tpu.memory_space<vmem>>
    %dma_wait3A_222 = arith.constant 0 : i32
    %dma_wait3A_223 = arith.constant 0 : i32
    %dma_wait3A_224 = tpu.memref_slice %arg4[%dma_wait3A_222, %dma_wait3A_223] : memref<100000x128xf32, #tpu.memory_space<hbm>> -> memref<100000x128xf32, #tpu.memory_space<hbm>>
    %dma_wait3A_225 = tpu.memref_slice %arg10[%dma_wait3A_212] : memref<3x!tpu.dma_semaphore, #tpu.memory_space<semaphore_mem>> -> memref<1x!tpu.dma_semaphore, #tpu.memory_space<semaphore_mem>>
    %dma_wait3A_226 = tpu.memref_squeeze %dma_wait3A_225 : memref<1x!tpu.dma_semaphore, #tpu.memory_space<semaphore_mem>> -> memref<!tpu.dma_semaphore, #tpu.memory_space<semaphore_mem>>
    tpu.wait_indirect_dma semaphore(%dma_wait3A_226 : memref<!tpu.dma_semaphore, #tpu.memory_space<semaphore_mem>>) src(%dma_wait3A_224 : memref<100000x128xf32, #tpu.memory_space<hbm>>) dst(%dma_wait3A_219 : memref<128x128xf32, #tpu.memory_space<vmem>>)
    %add3A_227 = arith.constant 256 : i32
    %add3A_228 = arith.addi %mul3A_2, %add3A_227 : i32
    %dma_start3A_229 = arith.constant 1 : i32
    %dma_start3A_230 = arith.constant 1 : i32
    %dma_start3A_231 = arith.constant 0 : i32
    %dma_start3A_232 = arith.constant 0 : i32
    %dma_start3A_233 = tpu.memref_slice %arg9[%dma_start3A_229, %dma_start3A_231, %dma_start3A_232] : memref<3x256x128xf32, #tpu.memory_space<vmem>> -> memref<1x256x128xf32, #tpu.memory_space<vmem>>
    %dma_start3A_234 = tpu.memref_squeeze %dma_start3A_233 : memref<1x256x128xf32, #tpu.memory_space<vmem>> -> memref<256x128xf32, #tpu.memory_space<vmem>>
    %dma_start3A_235 = arith.constant 0 : i32
    %dma_start3A_236 = tpu.memref_slice %arg6[%add3A_228, %dma_start3A_235] : memref<16384x128xf32, #tpu.memory_space<hbm>> -> memref<256x128xf32, #tpu.memory_space<hbm>>
    %dma_start3A_237 = tpu.memref_slice %arg11[%dma_start3A_230] : memref<3x!tpu.dma_semaphore, #tpu.memory_space<semaphore_mem>> -> memref<1x!tpu.dma_semaphore, #tpu.memory_space<semaphore_mem>>
    %dma_start3A_238 = tpu.memref_squeeze %dma_start3A_237 : memref<1x!tpu.dma_semaphore, #tpu.memory_space<semaphore_mem>> -> memref<!tpu.dma_semaphore, #tpu.memory_space<semaphore_mem>>
    %dma_start3A_239 = arith.constant 0 : i32
    %dma_start3A_240 = tpu.memref_slice %arg6[%add3A_228, %dma_start3A_239] : memref<16384x128xf32, #tpu.memory_space<hbm>> -> memref<256x128xf32, #tpu.memory_space<hbm>>
    %dma_start3A_241 = arith.constant 0 : i32
    %dma_start3A_242 = arith.constant 0 : i32
    %dma_start3A_243 = tpu.memref_slice %arg9[%dma_start3A_229, %dma_start3A_241, %dma_start3A_242] : memref<3x256x128xf32, #tpu.memory_space<vmem>> -> memref<1x256x128xf32, #tpu.memory_space<vmem>>
    %dma_start3A_244 = tpu.memref_squeeze %dma_start3A_243 : memref<1x256x128xf32, #tpu.memory_space<vmem>> -> memref<256x128xf32, #tpu.memory_space<vmem>>
    tpu.enqueue_dma source(%dma_start3A_244 : memref<256x128xf32, #tpu.memory_space<vmem>>) target(%dma_start3A_240 : memref<256x128xf32, #tpu.memory_space<hbm>>) target_semaphore(%dma_start3A_238 : memref<!tpu.dma_semaphore, #tpu.memory_space<semaphore_mem>>)
    %dma_wait3A_245 = arith.constant 2 : i32
    %dma_wait3A_246 = arith.constant 2 : i32
    %dma_wait3A_247 = arith.constant 0 : i32
    %dma_wait3A_248 = arith.constant 0 : i32
    %dma_wait3A_249 = tpu.memref_slice %arg9[%dma_wait3A_245, %dma_wait3A_247, %dma_wait3A_248] : memref<3x256x128xf32, #tpu.memory_space<vmem>> -> memref<1x256x128xf32, #tpu.memory_space<vmem>>
    %dma_wait3A_250 = tpu.memref_squeeze %dma_wait3A_249 : memref<1x256x128xf32, #tpu.memory_space<vmem>> -> memref<256x128xf32, #tpu.memory_space<vmem>>
    %dma_wait3A_251 = arith.constant 0 : i32
    %dma_wait3A_252 = arith.constant 0 : i32
    %dma_wait3A_253 = tpu.memref_slice %dma_wait3A_250[%dma_wait3A_251, %dma_wait3A_252] : memref<256x128xf32, #tpu.memory_space<vmem>> -> memref<128x128xf32, #tpu.memory_space<vmem>>
    %dma_wait3A_254 = arith.constant 512 : i32
    %dma_wait3A_255 = tpu.memref_slice %arg8[%dma_wait3A_254] : memref<1024xi32, #tpu.memory_space<vmem>> -> memref<128xi32, #tpu.memory_space<vmem>>
    %dma_wait3A_256 = arith.constant 0 : i32
    %dma_wait3A_257 = arith.constant 0 : i32
    %dma_wait3A_258 = tpu.memref_slice %arg5[%dma_wait3A_256, %dma_wait3A_257] : memref<100000x128xf32, #tpu.memory_space<hbm>> -> memref<100000x128xf32, #tpu.memory_space<hbm>>
    %dma_wait3A_259 = tpu.memref_slice %arg10[%dma_wait3A_246] : memref<3x!tpu.dma_semaphore, #tpu.memory_space<semaphore_mem>> -> memref<1x!tpu.dma_semaphore, #tpu.memory_space<semaphore_mem>>
    %dma_wait3A_260 = tpu.memref_squeeze %dma_wait3A_259 : memref<1x!tpu.dma_semaphore, #tpu.memory_space<semaphore_mem>> -> memref<!tpu.dma_semaphore, #tpu.memory_space<semaphore_mem>>
    tpu.wait_indirect_dma semaphore(%dma_wait3A_260 : memref<!tpu.dma_semaphore, #tpu.memory_space<semaphore_mem>>) src(%dma_wait3A_258 : memref<100000x128xf32, #tpu.memory_space<hbm>>) dst(%dma_wait3A_253 : memref<128x128xf32, #tpu.memory_space<vmem>>)
    %dma_wait3A_261 = arith.constant 2 : i32
    %dma_wait3A_262 = arith.constant 2 : i32
    %dma_wait3A_263 = arith.constant 0 : i32
    %dma_wait3A_264 = arith.constant 0 : i32
    %dma_wait3A_265 = tpu.memref_slice %arg9[%dma_wait3A_261, %dma_wait3A_263, %dma_wait3A_264] : memref<3x256x128xf32, #tpu.memory_space<vmem>> -> memref<1x256x128xf32, #tpu.memory_space<vmem>>
    %dma_wait3A_266 = tpu.memref_squeeze %dma_wait3A_265 : memref<1x256x128xf32, #tpu.memory_space<vmem>> -> memref<256x128xf32, #tpu.memory_space<vmem>>
    %dma_wait3A_267 = arith.constant 128 : i32
    %dma_wait3A_268 = arith.constant 0 : i32
    %dma_wait3A_269 = tpu.memref_slice %dma_wait3A_266[%dma_wait3A_267, %dma_wait3A_268] : memref<256x128xf32, #tpu.memory_space<vmem>> -> memref<128x128xf32, #tpu.memory_space<vmem>>
    %dma_wait3A_270 = arith.constant 640 : i32
    %dma_wait3A_271 = tpu.memref_slice %arg8[%dma_wait3A_270] : memref<1024xi32, #tpu.memory_space<vmem>> -> memref<128xi32, #tpu.memory_space<vmem>>
    %dma_wait3A_272 = arith.constant 0 : i32
    %dma_wait3A_273 = arith.constant 0 : i32
    %dma_wait3A_274 = tpu.memref_slice %arg5[%dma_wait3A_272, %dma_wait3A_273] : memref<100000x128xf32, #tpu.memory_space<hbm>> -> memref<100000x128xf32, #tpu.memory_space<hbm>>
    %dma_wait3A_275 = tpu.memref_slice %arg10[%dma_wait3A_262] : memref<3x!tpu.dma_semaphore, #tpu.memory_space<semaphore_mem>> -> memref<1x!tpu.dma_semaphore, #tpu.memory_space<semaphore_mem>>
    %dma_wait3A_276 = tpu.memref_squeeze %dma_wait3A_275 : memref<1x!tpu.dma_semaphore, #tpu.memory_space<semaphore_mem>> -> memref<!tpu.dma_semaphore, #tpu.memory_space<semaphore_mem>>
    tpu.wait_indirect_dma semaphore(%dma_wait3A_276 : memref<!tpu.dma_semaphore, #tpu.memory_space<semaphore_mem>>) src(%dma_wait3A_274 : memref<100000x128xf32, #tpu.memory_space<hbm>>) dst(%dma_wait3A_269 : memref<128x128xf32, #tpu.memory_space<vmem>>)
    %add3A_277 = arith.constant 0 : i32
    %add3A_278 = arith.addi %mul3A_2, %add3A_277 : i32
    %dma_start3A_279 = arith.constant 2 : i32
    %dma_start3A_280 = arith.constant 2 : i32
    %dma_start3A_281 = arith.constant 0 : i32
    %dma_start3A_282 = arith.constant 0 : i32
    %dma_start3A_283 = tpu.memref_slice %arg9[%dma_start3A_279, %dma_start3A_281, %dma_start3A_282] : memref<3x256x128xf32, #tpu.memory_space<vmem>> -> memref<1x256x128xf32, #tpu.memory_space<vmem>>
    %dma_start3A_284 = tpu.memref_squeeze %dma_start3A_283 : memref<1x256x128xf32, #tpu.memory_space<vmem>> -> memref<256x128xf32, #tpu.memory_space<vmem>>
    %dma_start3A_285 = arith.constant 0 : i32
    %dma_start3A_286 = tpu.memref_slice %arg7[%add3A_278, %dma_start3A_285] : memref<16384x128xf32, #tpu.memory_space<hbm>> -> memref<256x128xf32, #tpu.memory_space<hbm>>
    %dma_start3A_287 = tpu.memref_slice %arg11[%dma_start3A_280] : memref<3x!tpu.dma_semaphore, #tpu.memory_space<semaphore_mem>> -> memref<1x!tpu.dma_semaphore, #tpu.memory_space<semaphore_mem>>
    %dma_start3A_288 = tpu.memref_squeeze %dma_start3A_287 : memref<1x!tpu.dma_semaphore, #tpu.memory_space<semaphore_mem>> -> memref<!tpu.dma_semaphore, #tpu.memory_space<semaphore_mem>>
    %dma_start3A_289 = arith.constant 0 : i32
    %dma_start3A_290 = tpu.memref_slice %arg7[%add3A_278, %dma_start3A_289] : memref<16384x128xf32, #tpu.memory_space<hbm>> -> memref<256x128xf32, #tpu.memory_space<hbm>>
    %dma_start3A_291 = arith.constant 0 : i32
    %dma_start3A_292 = arith.constant 0 : i32
    %dma_start3A_293 = tpu.memref_slice %arg9[%dma_start3A_279, %dma_start3A_291, %dma_start3A_292] : memref<3x256x128xf32, #tpu.memory_space<vmem>> -> memref<1x256x128xf32, #tpu.memory_space<vmem>>
    %dma_start3A_294 = tpu.memref_squeeze %dma_start3A_293 : memref<1x256x128xf32, #tpu.memory_space<vmem>> -> memref<256x128xf32, #tpu.memory_space<vmem>>
    tpu.enqueue_dma source(%dma_start3A_294 : memref<256x128xf32, #tpu.memory_space<vmem>>) target(%dma_start3A_290 : memref<256x128xf32, #tpu.memory_space<hbm>>) target_semaphore(%dma_start3A_288 : memref<!tpu.dma_semaphore, #tpu.memory_space<semaphore_mem>>)
    %dma_wait3A_295 = arith.constant 0 : i32
    %dma_wait3A_296 = arith.constant 0 : i32
    %dma_wait3A_297 = arith.constant 0 : i32
    %dma_wait3A_298 = arith.constant 0 : i32
    %dma_wait3A_299 = tpu.memref_slice %arg9[%dma_wait3A_295, %dma_wait3A_297, %dma_wait3A_298] : memref<3x256x128xf32, #tpu.memory_space<vmem>> -> memref<1x256x128xf32, #tpu.memory_space<vmem>>
    %dma_wait3A_300 = tpu.memref_squeeze %dma_wait3A_299 : memref<1x256x128xf32, #tpu.memory_space<vmem>> -> memref<256x128xf32, #tpu.memory_space<vmem>>
    %dma_wait3A_301 = arith.constant 0 : i32
    %dma_wait3A_302 = arith.constant 0 : i32
    %dma_wait3A_303 = tpu.memref_slice %dma_wait3A_300[%dma_wait3A_301, %dma_wait3A_302] : memref<256x128xf32, #tpu.memory_space<vmem>> -> memref<128x128xf32, #tpu.memory_space<vmem>>
    %dma_wait3A_304 = arith.constant 768 : i32
    %dma_wait3A_305 = tpu.memref_slice %arg8[%dma_wait3A_304] : memref<1024xi32, #tpu.memory_space<vmem>> -> memref<128xi32, #tpu.memory_space<vmem>>
    %dma_wait3A_306 = arith.constant 0 : i32
    %dma_wait3A_307 = arith.constant 0 : i32
    %dma_wait3A_308 = tpu.memref_slice %arg5[%dma_wait3A_306, %dma_wait3A_307] : memref<100000x128xf32, #tpu.memory_space<hbm>> -> memref<100000x128xf32, #tpu.memory_space<hbm>>
    %dma_wait3A_309 = tpu.memref_slice %arg10[%dma_wait3A_296] : memref<3x!tpu.dma_semaphore, #tpu.memory_space<semaphore_mem>> -> memref<1x!tpu.dma_semaphore, #tpu.memory_space<semaphore_mem>>
    %dma_wait3A_310 = tpu.memref_squeeze %dma_wait3A_309 : memref<1x!tpu.dma_semaphore, #tpu.memory_space<semaphore_mem>> -> memref<!tpu.dma_semaphore, #tpu.memory_space<semaphore_mem>>
    tpu.wait_indirect_dma semaphore(%dma_wait3A_310 : memref<!tpu.dma_semaphore, #tpu.memory_space<semaphore_mem>>) src(%dma_wait3A_308 : memref<100000x128xf32, #tpu.memory_space<hbm>>) dst(%dma_wait3A_303 : memref<128x128xf32, #tpu.memory_space<vmem>>)
    %dma_wait3A_311 = arith.constant 0 : i32
    %dma_wait3A_312 = arith.constant 0 : i32
    %dma_wait3A_313 = arith.constant 0 : i32
    %dma_wait3A_314 = arith.constant 0 : i32
    %dma_wait3A_315 = tpu.memref_slice %arg9[%dma_wait3A_311, %dma_wait3A_313, %dma_wait3A_314] : memref<3x256x128xf32, #tpu.memory_space<vmem>> -> memref<1x256x128xf32, #tpu.memory_space<vmem>>
    %dma_wait3A_316 = tpu.memref_squeeze %dma_wait3A_315 : memref<1x256x128xf32, #tpu.memory_space<vmem>> -> memref<256x128xf32, #tpu.memory_space<vmem>>
    %dma_wait3A_317 = arith.constant 128 : i32
    %dma_wait3A_318 = arith.constant 0 : i32
    %dma_wait3A_319 = tpu.memref_slice %dma_wait3A_316[%dma_wait3A_317, %dma_wait3A_318] : memref<256x128xf32, #tpu.memory_space<vmem>> -> memref<128x128xf32, #tpu.memory_space<vmem>>
    %dma_wait3A_320 = arith.constant 896 : i32
    %dma_wait3A_321 = tpu.memref_slice %arg8[%dma_wait3A_320] : memref<1024xi32, #tpu.memory_space<vmem>> -> memref<128xi32, #tpu.memory_space<vmem>>
    %dma_wait3A_322 = arith.constant 0 : i32
    %dma_wait3A_323 = arith.constant 0 : i32
    %dma_wait3A_324 = tpu.memref_slice %arg5[%dma_wait3A_322, %dma_wait3A_323] : memref<100000x128xf32, #tpu.memory_space<hbm>> -> memref<100000x128xf32, #tpu.memory_space<hbm>>
    %dma_wait3A_325 = tpu.memref_slice %arg10[%dma_wait3A_312] : memref<3x!tpu.dma_semaphore, #tpu.memory_space<semaphore_mem>> -> memref<1x!tpu.dma_semaphore, #tpu.memory_space<semaphore_mem>>
    %dma_wait3A_326 = tpu.memref_squeeze %dma_wait3A_325 : memref<1x!tpu.dma_semaphore, #tpu.memory_space<semaphore_mem>> -> memref<!tpu.dma_semaphore, #tpu.memory_space<semaphore_mem>>
    tpu.wait_indirect_dma semaphore(%dma_wait3A_326 : memref<!tpu.dma_semaphore, #tpu.memory_space<semaphore_mem>>) src(%dma_wait3A_324 : memref<100000x128xf32, #tpu.memory_space<hbm>>) dst(%dma_wait3A_319 : memref<128x128xf32, #tpu.memory_space<vmem>>)
    %add3A_327 = arith.constant 256 : i32
    %add3A_328 = arith.addi %mul3A_2, %add3A_327 : i32
    %dma_start3A_329 = arith.constant 0 : i32
    %dma_start3A_330 = arith.constant 0 : i32
    %dma_start3A_331 = arith.constant 0 : i32
    %dma_start3A_332 = arith.constant 0 : i32
    %dma_start3A_333 = tpu.memref_slice %arg9[%dma_start3A_329, %dma_start3A_331, %dma_start3A_332] : memref<3x256x128xf32, #tpu.memory_space<vmem>> -> memref<1x256x128xf32, #tpu.memory_space<vmem>>
    %dma_start3A_334 = tpu.memref_squeeze %dma_start3A_333 : memref<1x256x128xf32, #tpu.memory_space<vmem>> -> memref<256x128xf32, #tpu.memory_space<vmem>>
    %dma_start3A_335 = arith.constant 0 : i32
    %dma_start3A_336 = tpu.memref_slice %arg7[%add3A_328, %dma_start3A_335] : memref<16384x128xf32, #tpu.memory_space<hbm>> -> memref<256x128xf32, #tpu.memory_space<hbm>>
    %dma_start3A_337 = tpu.memref_slice %arg11[%dma_start3A_330] : memref<3x!tpu.dma_semaphore, #tpu.memory_space<semaphore_mem>> -> memref<1x!tpu.dma_semaphore, #tpu.memory_space<semaphore_mem>>
    %dma_start3A_338 = tpu.memref_squeeze %dma_start3A_337 : memref<1x!tpu.dma_semaphore, #tpu.memory_space<semaphore_mem>> -> memref<!tpu.dma_semaphore, #tpu.memory_space<semaphore_mem>>
    %dma_start3A_339 = arith.constant 0 : i32
    %dma_start3A_340 = tpu.memref_slice %arg7[%add3A_328, %dma_start3A_339] : memref<16384x128xf32, #tpu.memory_space<hbm>> -> memref<256x128xf32, #tpu.memory_space<hbm>>
    %dma_start3A_341 = arith.constant 0 : i32
    %dma_start3A_342 = arith.constant 0 : i32
    %dma_start3A_343 = tpu.memref_slice %arg9[%dma_start3A_329, %dma_start3A_341, %dma_start3A_342] : memref<3x256x128xf32, #tpu.memory_space<vmem>> -> memref<1x256x128xf32, #tpu.memory_space<vmem>>
    %dma_start3A_344 = tpu.memref_squeeze %dma_start3A_343 : memref<1x256x128xf32, #tpu.memory_space<vmem>> -> memref<256x128xf32, #tpu.memory_space<vmem>>
    tpu.enqueue_dma source(%dma_start3A_344 : memref<256x128xf32, #tpu.memory_space<vmem>>) target(%dma_start3A_340 : memref<256x128xf32, #tpu.memory_space<hbm>>) target_semaphore(%dma_start3A_338 : memref<!tpu.dma_semaphore, #tpu.memory_space<semaphore_mem>>)
    %dma_wait3A_345 = arith.constant 1 : i32
    %dma_wait3A_346 = arith.constant 1 : i32
    %dma_wait3A_347 = arith.constant 0 : i32
    %dma_wait3A_348 = arith.constant 0 : i32
    %dma_wait3A_349 = tpu.memref_slice %arg9[%dma_wait3A_345, %dma_wait3A_347, %dma_wait3A_348] : memref<3x256x128xf32, #tpu.memory_space<vmem>> -> memref<1x256x128xf32, #tpu.memory_space<vmem>>
    %dma_wait3A_350 = tpu.memref_squeeze %dma_wait3A_349 : memref<1x256x128xf32, #tpu.memory_space<vmem>> -> memref<256x128xf32, #tpu.memory_space<vmem>>
    %dma_wait3A_351 = arith.constant 0 : i32
    %dma_wait3A_352 = tpu.memref_slice %arg6[%add3A_228, %dma_wait3A_351] : memref<16384x128xf32, #tpu.memory_space<hbm>> -> memref<256x128xf32, #tpu.memory_space<hbm>>
    %dma_wait3A_353 = tpu.memref_slice %arg11[%dma_wait3A_346] : memref<3x!tpu.dma_semaphore, #tpu.memory_space<semaphore_mem>> -> memref<1x!tpu.dma_semaphore, #tpu.memory_space<semaphore_mem>>
    %dma_wait3A_354 = tpu.memref_squeeze %dma_wait3A_353 : memref<1x!tpu.dma_semaphore, #tpu.memory_space<semaphore_mem>> -> memref<!tpu.dma_semaphore, #tpu.memory_space<semaphore_mem>>
    %dma_wait3A_355 = arith.constant 0 : i32
    %dma_wait3A_356 = tpu.memref_slice %arg6[%add3A_228, %dma_wait3A_355] : memref<16384x128xf32, #tpu.memory_space<hbm>> -> memref<256x128xf32, #tpu.memory_space<hbm>>
    %dma_wait3A_357 = arith.constant 0 : i32
    %dma_wait3A_358 = arith.constant 0 : i32
    %dma_wait3A_359 = tpu.memref_slice %arg9[%dma_wait3A_345, %dma_wait3A_357, %dma_wait3A_358] : memref<3x256x128xf32, #tpu.memory_space<vmem>> -> memref<1x256x128xf32, #tpu.memory_space<vmem>>
    %dma_wait3A_360 = tpu.memref_squeeze %dma_wait3A_359 : memref<1x256x128xf32, #tpu.memory_space<vmem>> -> memref<256x128xf32, #tpu.memory_space<vmem>>
    tpu.wait_dma2 semaphore(%dma_wait3A_354 : memref<!tpu.dma_semaphore, #tpu.memory_space<semaphore_mem>>) src(%dma_wait3A_360 : memref<256x128xf32, #tpu.memory_space<vmem>>) dst(%dma_wait3A_356 : memref<256x128xf32, #tpu.memory_space<hbm>>)
    %dma_wait3A_361 = arith.constant 2 : i32
    %dma_wait3A_362 = arith.constant 2 : i32
    %dma_wait3A_363 = arith.constant 0 : i32
    %dma_wait3A_364 = arith.constant 0 : i32
    %dma_wait3A_365 = tpu.memref_slice %arg9[%dma_wait3A_361, %dma_wait3A_363, %dma_wait3A_364] : memref<3x256x128xf32, #tpu.memory_space<vmem>> -> memref<1x256x128xf32, #tpu.memory_space<vmem>>
    %dma_wait3A_366 = tpu.memref_squeeze %dma_wait3A_365 : memref<1x256x128xf32, #tpu.memory_space<vmem>> -> memref<256x128xf32, #tpu.memory_space<vmem>>
    %dma_wait3A_367 = arith.constant 0 : i32
    %dma_wait3A_368 = tpu.memref_slice %arg7[%add3A_278, %dma_wait3A_367] : memref<16384x128xf32, #tpu.memory_space<hbm>> -> memref<256x128xf32, #tpu.memory_space<hbm>>
    %dma_wait3A_369 = tpu.memref_slice %arg11[%dma_wait3A_362] : memref<3x!tpu.dma_semaphore, #tpu.memory_space<semaphore_mem>> -> memref<1x!tpu.dma_semaphore, #tpu.memory_space<semaphore_mem>>
    %dma_wait3A_370 = tpu.memref_squeeze %dma_wait3A_369 : memref<1x!tpu.dma_semaphore, #tpu.memory_space<semaphore_mem>> -> memref<!tpu.dma_semaphore, #tpu.memory_space<semaphore_mem>>
    %dma_wait3A_371 = arith.constant 0 : i32
    %dma_wait3A_372 = tpu.memref_slice %arg7[%add3A_278, %dma_wait3A_371] : memref<16384x128xf32, #tpu.memory_space<hbm>> -> memref<256x128xf32, #tpu.memory_space<hbm>>
    %dma_wait3A_373 = arith.constant 0 : i32
    %dma_wait3A_374 = arith.constant 0 : i32
    %dma_wait3A_375 = tpu.memref_slice %arg9[%dma_wait3A_361, %dma_wait3A_373, %dma_wait3A_374] : memref<3x256x128xf32, #tpu.memory_space<vmem>> -> memref<1x256x128xf32, #tpu.memory_space<vmem>>
    %dma_wait3A_376 = tpu.memref_squeeze %dma_wait3A_375 : memref<1x256x128xf32, #tpu.memory_space<vmem>> -> memref<256x128xf32, #tpu.memory_space<vmem>>
    tpu.wait_dma2 semaphore(%dma_wait3A_370 : memref<!tpu.dma_semaphore, #tpu.memory_space<semaphore_mem>>) src(%dma_wait3A_376 : memref<256x128xf32, #tpu.memory_space<vmem>>) dst(%dma_wait3A_372 : memref<256x128xf32, #tpu.memory_space<hbm>>)
    %dma_wait3A_377 = arith.constant 0 : i32
    %dma_wait3A_378 = arith.constant 0 : i32
    %dma_wait3A_379 = arith.constant 0 : i32
    %dma_wait3A_380 = arith.constant 0 : i32
    %dma_wait3A_381 = tpu.memref_slice %arg9[%dma_wait3A_377, %dma_wait3A_379, %dma_wait3A_380] : memref<3x256x128xf32, #tpu.memory_space<vmem>> -> memref<1x256x128xf32, #tpu.memory_space<vmem>>
    %dma_wait3A_382 = tpu.memref_squeeze %dma_wait3A_381 : memref<1x256x128xf32, #tpu.memory_space<vmem>> -> memref<256x128xf32, #tpu.memory_space<vmem>>
    %dma_wait3A_383 = arith.constant 0 : i32
    %dma_wait3A_384 = tpu.memref_slice %arg7[%add3A_328, %dma_wait3A_383] : memref<16384x128xf32, #tpu.memory_space<hbm>> -> memref<256x128xf32, #tpu.memory_space<hbm>>
    %dma_wait3A_385 = tpu.memref_slice %arg11[%dma_wait3A_378] : memref<3x!tpu.dma_semaphore, #tpu.memory_space<semaphore_mem>> -> memref<1x!tpu.dma_semaphore, #tpu.memory_space<semaphore_mem>>
    %dma_wait3A_386 = tpu.memref_squeeze %dma_wait3A_385 : memref<1x!tpu.dma_semaphore, #tpu.memory_space<semaphore_mem>> -> memref<!tpu.dma_semaphore, #tpu.memory_space<semaphore_mem>>
    %dma_wait3A_387 = arith.constant 0 : i32
    %dma_wait3A_388 = tpu.memref_slice %arg7[%add3A_328, %dma_wait3A_387] : memref<16384x128xf32, #tpu.memory_space<hbm>> -> memref<256x128xf32, #tpu.memory_space<hbm>>
    %dma_wait3A_389 = arith.constant 0 : i32
    %dma_wait3A_390 = arith.constant 0 : i32
    %dma_wait3A_391 = tpu.memref_slice %arg9[%dma_wait3A_377, %dma_wait3A_389, %dma_wait3A_390] : memref<3x256x128xf32, #tpu.memory_space<vmem>> -> memref<1x256x128xf32, #tpu.memory_space<vmem>>
    %dma_wait3A_392 = tpu.memref_squeeze %dma_wait3A_391 : memref<1x256x128xf32, #tpu.memory_space<vmem>> -> memref<256x128xf32, #tpu.memory_space<vmem>>
    tpu.wait_dma2 semaphore(%dma_wait3A_386 : memref<!tpu.dma_semaphore, #tpu.memory_space<semaphore_mem>>) src(%dma_wait3A_392 : memref<256x128xf32, #tpu.memory_space<vmem>>) dst(%dma_wait3A_388 : memref<256x128xf32, #tpu.memory_space<hbm>>)
    return
  }
}

</mosaic_0001>

<sc_bundles>
// kernel: kernel.3.cloned.1.call-start
scs
__scs_entry_jumppad:
0x0: {  	(pc) =	sbr.rel $0x88, $3  }
0x1: {  	(tag) =	ssettag $0x0;
	lr =	simm.s32 $0x1  }
0x2: {  	[smem:$0x3F9D] =	sst lr;
	_ =	strace $0xD0000000  }
0x3: {  	_ = 	snop  }
0x4: {  	_ = 	snop  }
0x5: {  	_ = 	snop  }
0x6: {  	_ = 	snop  }
0x7: {  	_ = 	snop  }
__scs_overlays_trampoline_lowered:
0x8: {  	[smem:$0x3FAC] =	sst s0  }
0x9: {  	[smem:$0x3FAD] =	sst s1  }
0xa: {  	[smem:$0x3FAE] =	sst s2  }
0xb: {  	[smem:$0x3FAF] =	sst s3  }
0xc: {  	[smem:$0x3FB0] =	sst s4  }
0xd: {  	[smem:$0x3FB1] =	sst s5  }
0xe: {  	[smem:$0x3FB2] =	sst s6  }
0xf: {  	[smem:$0x3FB3] =	sst s7  }
0x10: {  	[smem:$0x3FB4] =	sst s8  }
0x11: {  	[smem:$0x3FB5] =	sst s9;
	s0 =	simm.s32 @!p0 $0x0  }
0x12: {  	s1 =	sld [smem:$0x3F9B];
	s0 =	simm.s32 @p0 $0x1  }
0x13: {  	[smem:$0x3FB6] =	sst s0;
	s0 =	simm.s32 @!p1 $0x0  }
0x14: {  	s2 =	sld [smem:$0x3F9A];
	s0 =	simm.s32 @p1 $0x1  }
0x15: {  	[smem:$0x3FB7] =	sst s0;
	s0 =	simm.s32 @!p2 $0x0  }
0x16: {  	s3 =	sld [smem:$0x3FDB];
	s0 =	simm.s32 @p2 $0x1  }
0x17: {  	s4 =	simm.s32 $0x1BF5;
	[smem:$0x3FB9] =	sst s0  }
0x18: {  	s0 =	sld [smem:$0x3F9C];
	_ =	swait.ge [sflag:s4], $0x0  }
0x19: {  	s7 =	sld [smem:$0x3F9D]  }
0x1a: {  	s8 =	sadd.s32 $0xFFFFE003, lr  }
0x1b: {  	s9 =	sadd.s32 $0xFFFFFEF7, lr;
	s5 =	simm.s32 $0xFFFFFFFF;
	p2 =	slt.u32 s8, $0xFFFFF086  }
0x1c: {  	p1 =	slt.u32 s9, $0xF7A;
	s5 =	simm.s32 @!p2 $0x0  }
0x1d: {  	s5 =	simm.s32 @p1 $0x1;
	p0 =	seq.s32 s7, s2  }
0x1e: {  	s7 =	smul.u32 @!p0 $0xF7A, s2;
	p2 =	seq.s32 @!p0 s5, $0x0  }
0x1f: {  	s9 =	smul.u32 $0xF7A, s1;
	s8 =	simm.s32 @!p0 $0x1BF5;
	p2 =	por !p2, p0  }
0x20: {  	[sflag:s8] =	ssyncset.s32 @!p0 $0xFFFFF086;
	s6 =	sadd.s32 @!p0 s3, s7;
	s7 =	simm.s32 @!p0 $0x108  }
0x21: {  	s3 =	sadd.s32 s3, s9;
	s6 =	sadd.s32 @!p0 $0x88, s6;
	s7 =	simm.s32 @p2 $0x1082  }
0x22: {  	[simem:s7], [sflag:s8] =	dma.local @!p0 [hbm:s6], $0xF7A  }
0x23: {  	s9 =	sor.u32 $0xD0000000, s2;
	s6 =	simm.s32 $0x108;
	_ =	swait.ge @!p0 [sflag:s8], $0x0  }
0x24: {  	s3 =	sadd.s32 $0x88, s3;
	s6 =	simm.s32 @!p1 $0x1082;
	[sflag:s4] =	ssyncset.s32 $0xFFFFF086  }
0x25: {  	[simem:s6], [sflag:s4] =	dma.local [hbm:s3], $0xF7A  }
0x26: {  	[smem:$0x3F9D] =	sst s1;
	(tag) =	ssettag s2;
	_ =	strace s9  }
0x27: {  	s1 =	sld [smem:$0x3FAD]  }
0x28: {  	s2 =	sld [smem:$0x3FAE]  }
0x29: {  	s4 =	sld [smem:$0x3FB0]  }
0x2a: {  	p0 =	seq.s32 s5, $0x0;
	s5 =	sld [smem:$0x3FB1]  }
0x2b: {  	s6 =	sld [smem:$0x3FB2]  }
0x2c: {  	s7 =	sld [smem:$0x3FB3]  }
0x2d: {  	s3 =	simm.s32 $0x108;
	s8 =	sld [smem:$0x3FB4]  }
0x2e: {  	s3 =	simm.s32 @!p0 $0x1082;
	s9 =	sld [smem:$0x3FB5]  }
0x2f: {  	lr =	sadd.s32 s0, s3;
	s0 =	sld [smem:$0x3FAC]  }
0x30: {  	s3 =	sld [smem:$0x3FAF]  }
0x31: {  	[smem:$0x3FB8] =	sst s10  }
0x32: {  	s10 =	sld [smem:$0x3FB6];
	_ =	sdelay $0x3  }
0x33: {  	p0 =	seq.s32 s10, $0x1;
	s10 =	sld [smem:$0x3FB8];
	_ =	sdelay $0x3  }
0x34: {  	[smem:$0x3FB8] =	sst s10  }
0x35: {  	s10 =	sld [smem:$0x3FB7];
	_ =	sdelay $0x3  }
0x36: {  	p1 =	seq.s32 s10, $0x1;
	s10 =	sld [smem:$0x3FB8];
	_ =	sdelay $0x3  }
0x37: {  	[smem:$0x3FB8] =	sst s10  }
0x38: {  	s10 =	sld [smem:$0x3FB9]  }
0x39: {  	_ = 	snop;
	(pc) =	sbr.ind lr, $3  }
0x3a: {  	_ = 	snop  }
0x3b: {  	_ = 	snop  }
0x3c: {  	p2 =	seq.s32 s10, $0x1;
	s10 =	sld [smem:$0x3FB8]  }
0x3d: {  	_ =	shalt  }
0x3e: {  	_ =	shalt  }
0x3f: {  	_ =	shalt  }
0x40: {  	_ =	shalt  }
0x41: {  	_ =	shalt  }
0x42: {  	_ =	shalt  }
0x43: {  	_ =	shalt  }
0x44: {  	_ =	shalt  }
0x45: {  	_ =	shalt  }
0x46: {  	_ =	shalt  }
0x47: {  	_ =	shalt  }
0x48: {  	_ =	shalt  }
0x49: {  	_ =	shalt  }
0x4a: {  	_ =	shalt  }
0x4b: {  	_ =	shalt  }
0x4c: {  	_ =	shalt  }
0x4d: {  	_ =	shalt  }
0x4e: {  	_ =	shalt  }
0x4f: {  	_ =	shalt  }
0x50: {  	_ =	shalt  }
0x51: {  	_ =	shalt  }
0x52: {  	_ =	shalt  }
0x53: {  	_ =	shalt  }
0x54: {  	_ =	shalt  }
0x55: {  	_ =	shalt  }
0x56: {  	_ =	shalt  }
0x57: {  	_ =	shalt  }
0x58: {  	_ =	shalt  }
0x59: {  	_ =	shalt  }
0x5a: {  	_ =	shalt  }
0x5b: {  	_ =	shalt  }
0x5c: {  	_ =	shalt  }
0x5d: {  	_ =	shalt  }
0x5e: {  	_ =	shalt  }
0x5f: {  	_ =	shalt  }
0x60: {  	_ =	shalt  }
0x61: {  	_ =	shalt  }
0x62: {  	_ =	shalt  }
0x63: {  	_ =	shalt  }
0x64: {  	_ =	shalt  }
0x65: {  	_ =	shalt  }
0x66: {  	_ =	shalt  }
0x67: {  	_ =	shalt  }
0x68: {  	_ =	shalt  }
0x69: {  	_ =	shalt  }
0x6a: {  	_ =	shalt  }
0x6b: {  	_ =	shalt  }
0x6c: {  	_ =	shalt  }
0x6d: {  	_ =	shalt  }
0x6e: {  	_ =	shalt  }
0x6f: {  	_ =	shalt  }
0x70: {  	_ =	shalt  }
0x71: {  	_ =	shalt  }
0x72: {  	_ =	shalt  }
0x73: {  	_ =	shalt  }
0x74: {  	_ =	shalt  }
0x75: {  	_ =	shalt  }
0x76: {  	_ =	shalt  }
0x77: {  	_ =	shalt  }
0x78: {  	_ =	shalt  }
0x79: {  	_ =	shalt  }
0x7a: {  	_ =	shalt  }
0x7b: {  	_ =	shalt  }
0x7c: {  	_ =	shalt  }
0x7d: {  	_ =	shalt  }
0x7e: {  	_ =	shalt  }
0x7f: {  	_ =	shalt  }
0x80: {  	_ =	shalt  }
0x81: {  	_ =	shalt  }
0x82: {  	_ =	shalt  }
0x83: {  	_ =	shalt  }
0x84: {  	_ =	shalt  }
0x85: {  	_ =	shalt  }
0x86: {  	_ =	shalt  }
0x87: {  	_ =	shalt  }
.Lfunc_end0:
.L_simem_size_0:
called_computation_lowered:
.L_overlay_start_0:
0x88: {  	s2 =	sld [smem:$0x3FD9]  }
0x89: {  	s3 =	sld [smem:$0x3FFE];
	_ =	sdelay $0x1  }
0x8a: {  	s1 =	srdreg.scid  }
0x8b: {  	s0 =	sand.u32 $0x1, s1  }
0x8c: {  	s15 =	sshll.u32 s0, $0xA;
	s2 =	sadd.s32 s3, s2  }
0x8d: {  	s2 =	sadd.s32 s2, s15  }
0x8e: {  	[smem:$0x3FC4] =	sst s2  }
0x8f: {  	_ = 	snop  }
0x90: {  	s2 =	sld [smem:$0x3FC9]  }
0x91: {  	s16 =	sld [smem:$0x3FD0]  }
0x92: {  	s4 =	sld [smem:$0x3FC8]  }
0x93: {  	s5 =	sld [smem:$0x3FC7]  }
0x94: {  	s7 =	simm.s32 $0xA;
	s8 =	simm.s32 $0x10;
	s6 =	sld [smem:$0x3FC6]  }
0x95: {  	[smem:s8], [sflag:s7] =	dma.local [hbm:s16], $0x1  }
0x96: {  	_ =	swait.eq [sflag:s7], $0x1  }
0x97: {  	[sflag:s7] =	ssyncset.done $0x0  }
0x98: {  	s17 =	sld [smem:$0x10];
	[sflag:s7] =	ssyncadd.s32 $0xFFFFFFFF  }
0x99: {  	s18 =	sld [smem:$0x11];
	(tm) =	ssettm $0x1  }
0x9a: {  	s19 =	sld [smem:$0x3FFB];
	_ =	sdelay $0x3  }
0x9b: {  	_ =	strace s19  }
0x9c: {  	s8 =	sld [smem:$0x3FFC];
	_ =	sdelay $0x3  }
0x9d: {  	_ =	strace s8  }
0x9e: {  	s8 =	sld [smem:$0x3FFD];
	_ =	sdelay $0x3  }
0x9f: {  	_ =	strace s8  }
0xa0: {  	_ =	strace $0x8FFFFFFF  }
0xa1: {  	s20 =	sld [smem:$0x3FDB];
	_ =	sdelay $0x1  }
0xa2: {  	s9 =	simm.s32 $_scs_section_size  }
0xa3: {  	s10 =	simm.s32 $_size__tile_overlayer_lowered;
	s11 =	simm.s32 $_tile_overlayer_lowered  }
0xa4: {  	s23 =	simm.s32 $0x1BFF;
	s22 =	sshll.u32 s11, $0x1;
	s8 =	sadd.s32 s9, s20  }
0xa5: {  	s12 =	simm.s32 $0x0;
	s21 =	sshll.u32 s10, $0x1;
	s10 =	sadd.s32 s22, s8  }
0xa6: {  	[timem:s12], [sflag:s23] =	dma.local [hbm:s10], s21  }
0xa7: {  	_ =	swait.ge [sflag:s23], s21  }
0xa8: {  	s9 =	ssub.s32 $0x0, s21;
	[sflag:s23] =	ssyncset.done $0x0  }
0xa9: {  	[sflag:s23] =	ssyncadd.s32 s9;
	_ =	sdelay $0x1  }
0xaa: {  	s24 =	simm.s32 $0x1B8B  }
0xab: {  	_ =	swait.ge [sflag:s24], $0x1  }
0xac: {  	[sflag:s24] =	ssyncset.done $0x0  }
0xad: {  	s25 =	simm.s32 $0x1B8E;
	[sflag:s24] =	ssyncadd.s32 $0xFFFFFFFF  }
0xae: {  	s26 =	simm.s32 $execute0_lowered;
	[smem:$0x3FD2] =	sst s25  }
0xaf: {  	s9 =	sshll.u32 s26, $0x1;
	_ =	strace $0x80000046;
	[dreg:$0x1] =	wrdreg $0xFFFFFFFF  }
0xb0: {  	s28 =	simm.s32 $_size_execute0_lowered;
	s8 =	sadd.s32 s8, s9;
	[dreg:$0x0] =	wrdreg $0x0  }
0xb1: {  	s9 =	sshll.u32 s28, $0x1;
	[dreg:$0x2] =	wrdreg s8  }
0xb2: {  	[dreg:$0x3] =	wrdreg s9  }
0xb3: {  	[dreg:$0x4] =	wrdreg $0xC0  }
0xb4: {  	_ =	task [dreg:s12], $0x5FFFF  }
0xb5: {  	[dreg:$0x1] =	wrdreg $0xFFFFFFFF  }
0xb6: {  	[dreg:$0x0] =	wrdreg $0x60  }
0xb7: {  	[dreg:$0x2] =	wrdreg s2  }
0xb8: {  	[dreg:$0x3] =	wrdreg s4  }
0xb9: {  	[dreg:$0x4] =	wrdreg s5  }
0xba: {  	[dreg:$0x5] =	wrdreg s6  }
0xbb: {  	[dreg:$0x6] =	wrdreg s17  }
0xbc: {  	[dreg:$0x7] =	wrdreg s18  }
0xbd: {  	[dreg:$0x8] =	wrdreg $0x9  }
0xbe: {  	_ =	task.clear_ibuf [dreg:s12], $0x9FFFF;
	_ =	strace $0x90000046  }
0xbf: {  	s29 =	simm.s32 $0x9;
	_ =	strace $0x80000048  }
0xc0: {  	_ =	swait.ge [sflag:s29], $0x1  }
0xc1: {  	[sflag:s29] =	ssyncadd.s32 $0xFFFFFFFF  }
0xc2: {  	_ =	strace $0x90000048  }
0xc3: {  	_ =	sfence  }
0xc4: {  	s30 =	sld [smem:$0x0];
	_ =	sdelay $0x2  }
0xc5: {  	s31 =	sshll.u32 s1, $0xD;
	s1 =	sshrl.u32 s1, $0x2  }
0xc6: {  	s3 =	sand.u32 $0x4000, s31;
	s1 =	sadd.s32 s1, s30  }
0xc7: {  	s0 =	sor.u32 s3, s0;
	s1 =	sshll.u32 s1, $0x11  }
0xc8: {  	s0 =	sor.u32 s1, s0  }
0xc9: {  	s0 =	sadd.s32 $0x8F2B, s0  }
0xca: {  	[sflag:s0] =	ssyncadd.remote.s32 $0x1  }
0xcb: {  	_ =	sfence.sel $0xFFFF  }
0xcc: {  	[dreg:$0x0] =	wrdreg $0xFFFFFFFF;
	(pc) =	sbr.abs _section_cstart, $3  }
0xcd: {  	[dreg:$0x1] =	wrdreg $0xFFFFFFFF  }
0xce: {  	_ =	task.clear_ibuf [dreg:s12], $0x2FFFF;
	_ =	strace $0x9FFFFFFF  }
0xcf: {  	(tm) =	ssettm $0x7FFFFFFF  }
tec
execute0_lowered:
.L_overlay_start_1:
0x0: {  	(tag) =	ssettag $0x1  }
0x1: {  	s0 =	rddreg [dreg:$0x0]  }
0x2: {  	s4 =	rddreg [dreg:$0x1]  }
0x3: {  	s8 =	rddreg [dreg:$0x2]  }
0x4: {  	s3 =	rddreg [dreg:$0x3]  }
0x5: {  	s5 =	rddreg [dreg:$0x4]  }
0x6: {  	s7 =	rddreg [dreg:$0x5]  }
0x7: {  	s2 =	srdreg.scid;
	s1 =	stileid.u32;
	s20 =	simm.s32 $0x200  }
0x8: {  	s16 =	simm.s32 $0x80;
	s17 =	simm.s32 $0x4400;
	s25 =	simm.s32 $0x100  }
0x9: {  	s14 =	simm.s32 $0x8400;
	s26 =	simm.s32 $0x180;
	s28 =	simm.s32 $0xC400  }
0xa: {  	s29 =	simm.s32 $0x280;
	s30 =	simm.s32 $0x14400;
	s22 =	simm.s32 $0x300  }
0xb: {  	p0 =	por $0x0, $0x0;
	s19 =	simm.s32 $0x2;
	s18 =	simm.s32 $0x3  }
0xc: {  	s13 =	simm.s32 $0x5;
	s6 =	sand.u32 $0x1, s2;
	s2 =	simm.s32 $0x0  }
0xd: {  	s9 =	sshll.u32 s1, $0xA;
	s10 =	sshll.u32 s6, $0x9;
	s6 =	ssub.s32 $0x2, s6  }
0xe: {  	[smem:$0x7FF] =	sst s2;
	s9 =	sor.u32 s10, s9;
	s11 =	sshrl.u32 s6, $0x1  }
0xf: {  	_ =	strace $0x80000047;
	s10 =	sshrl.u32 s9, $0x3;
	s11 =	ssub.s32 s6, s11  }
0x10: {  	s12 =	sshll.u32 s9, $0x4;
	s0 =	sadd.s32 s0, s10;
	s24 =	smax.u32 s11, $0x1  }
0x11: {  	s23 =	sor.u32 $0x1000, s12;
	s21 =	sadd.s32 s4, s10;
	p1 =	sne.s32 s24, $0x1  }
.Ltmp0:
0x12: {  	s15 =	sadd.s32 s5, s12;
	s6 =	sadd.s32 s7, s12;
	(pc) =	sbr.rel @!p1 .LBB2_3-.Ltmp0, $4  }
0x13: {  	s11 =	simm.s32 $0x10400;
	s10 =	simm.s32 $0x1;
	s12 =	simm.s32 $0x6  }
0x14: {  	[dreg:$0x7] =	wrdreg s0;
	s9 =	sadd.s32 s5, s23;
	s4 =	sadd.s32 s7, s23  }
0x15: {  	s23 =	simm.s32 $0x7;
	s5 =	simm.s32 $0x400;
	s7 =	simm.s32 $0x4  }
0x16: {  	s31 =	sadd.s32 $0xFFFFFFFF, s24;
	s24 =	simm.s32 $0x380;
	s0 =	rddreg [dreg:$0x7]  }
0x17: {  	[tilespmem:s2], [sflag:$0x7] =	stream.linear.gather [hbm4b:s0+s2], $0x200, $0x38;
	[tilespmem:$0x18400] =	vst v63  }
0x18: {  	_ =	swait.ge [sflag:s23], $0x200  }
0x19: {  	[sflag:s23] =	ssyncset.done $0x0  }
0x1a: {  	[sflag:s23] =	ssyncadd.s32 $0xFFFFFE00  }
0x1b: {  	[tilespmem:s20], [sflag:$0x7] =	stream.linear.gather [hbm4b:s21+s2], $0x200, $0x38;
	[tilespmem:$0x18400] =	vst v63  }
0x1c: {  	_ =	swait.ge [sflag:s23], $0x200  }
0x1d: {  	[sflag:s23] =	ssyncset.done $0x0  }
0x1e: {  	[sflag:s23] =	ssyncadd.s32 $0xFFFFFE00  }
0x1f: {  	[tilespmem:s5], [sflag:$0x1] =	stream.indirect.gather [hbm4b:s8+s16], $0x80, s2, s16, $0xb8;
	[tilespmem:$0x18400] =	vst v63  }
0x20: {  	_ = 	snop  }
0x21: {  	[tilespmem:s17], [sflag:$0x1] =	stream.indirect.gather [hbm4b:s8+s16], $0x80, s16, s16, $0xb8;
	[tilespmem:$0x18400] =	vst v63  }
0x22: {  	_ = 	snop  }
0x23: {  	[tilespmem:s14], [sflag:$0x2] =	stream.indirect.gather [hbm4b:s8+s16], $0x80, s25, s16, $0xb8;
	[tilespmem:$0x18400] =	vst v63  }
0x24: {  	_ = 	snop  }
0x25: {  	[tilespmem:s28], [sflag:$0x2] =	stream.indirect.gather [hbm4b:s8+s16], $0x80, s26, s16, $0xb8;
	[tilespmem:$0x18400] =	vst v63  }
0x26: {  	_ = 	snop  }
0x27: {  	[tilespmem:s11], [sflag:$0x3] =	stream.indirect.gather [hbm4b:s3+s16], $0x80, s20, s16, $0xb8;
	[tilespmem:$0x18400] =	vst v63  }
0x28: {  	_ = 	snop  }
0x29: {  	[tilespmem:s30], [sflag:$0x3] =	stream.indirect.gather [hbm4b:s3+s16], $0x80, s29, s16, $0xb8;
	[tilespmem:$0x18400] =	vst v63  }
0x2a: {  	_ =	swait.ge [sflag:s10], $0x4000  }
0x2b: {  	[sflag:s10] =	ssyncset.done $0x0  }
0x2c: {  	[sflag:s10] =	ssyncadd.s32 $0xFFFFC000  }
0x2d: {  	_ =	swait.ge [sflag:s10], $0x4000  }
0x2e: {  	[sflag:s10] =	ssyncset.done $0x0  }
0x2f: {  	[sflag:s10] =	ssyncadd.s32 $0xFFFFC000  }
0x30: {  	[hbm4b:s15+s2] =	stream.linear.scatter [tilespmem:s5], [sflag:$0x4], $0x8000, $0x38;
	[tilespmem:$0x18400] =	vst v63  }
0x31: {  	_ =	swait.ge [sflag:s7], $0x8000  }
0x32: {  	[sflag:s7] =	ssyncset.done $0x0  }
0x33: {  	[sflag:s7] =	ssyncadd.s32 $0xFFFF8000  }
0x34: {  	[tilespmem:s5], [sflag:$0x1] =	stream.indirect.gather [hbm4b:s3+s16], $0x80, s22, s16, $0xb8;
	[tilespmem:$0x18400] =	vst v63  }
0x35: {  	_ = 	snop  }
0x36: {  	[tilespmem:s17], [sflag:$0x1] =	stream.indirect.gather [hbm4b:s3+s16], $0x80, s24, s16, $0xb8;
	[tilespmem:$0x18400] =	vst v63  }
0x37: {  	_ =	swait.ge [sflag:s19], $0x4000  }
0x38: {  	[sflag:s19] =	ssyncset.done $0x0  }
0x39: {  	[sflag:s19] =	ssyncadd.s32 $0xFFFFC000  }
0x3a: {  	_ =	swait.ge [sflag:s19], $0x4000  }
0x3b: {  	[sflag:s19] =	ssyncset.done $0x0  }
0x3c: {  	[sflag:s19] =	ssyncadd.s32 $0xFFFFC000  }
0x3d: {  	[hbm4b:s9+s2] =	stream.linear.scatter [tilespmem:s14], [sflag:$0x5], $0x8000, $0x38;
	[tilespmem:$0x18400] =	vst v63  }
0x3e: {  	_ =	swait.ge [sflag:s18], $0x4000  }
0x3f: {  	[sflag:s18] =	ssyncset.done $0x0  }
0x40: {  	[sflag:s18] =	ssyncadd.s32 $0xFFFFC000  }
0x41: {  	_ =	swait.ge [sflag:s18], $0x4000  }
0x42: {  	[sflag:s18] =	ssyncset.done $0x0  }
0x43: {  	[sflag:s18] =	ssyncadd.s32 $0xFFFFC000  }
0x44: {  	[hbm4b:s6+s2] =	stream.linear.scatter [tilespmem:s11], [sflag:$0x6], $0x8000, $0x38;
	[tilespmem:$0x18400] =	vst v63  }
0x45: {  	_ =	swait.ge [sflag:s10], $0x4000  }
0x46: {  	[sflag:s10] =	ssyncset.done $0x0  }
0x47: {  	[sflag:s10] =	ssyncadd.s32 $0xFFFFC000  }
0x48: {  	_ =	swait.ge [sflag:s10], $0x4000  }
0x49: {  	[sflag:s10] =	ssyncset.done $0x0  }
0x4a: {  	[sflag:s10] =	ssyncadd.s32 $0xFFFFC000  }
0x4b: {  	[hbm4b:s4+s2] =	stream.linear.scatter [tilespmem:s5], [sflag:$0x4], $0x8000, $0x38;
	[tilespmem:$0x18400] =	vst v63  }
0x4c: {  	_ =	swait.ge [sflag:s13], $0x8000  }
0x4d: {  	[sflag:s13] =	ssyncset.done $0x0  }
0x4e: {  	p1 =	sne.s32 s31, $0x1;
	[sflag:s13] =	ssyncadd.s32 $0xFFFF8000  }
.Ltmp1:
0x4f: {  	_ =	swait.ge [sflag:s12], $0x8000;
	(pc) =	sbr.rel @!p1 .LBB2_3-.Ltmp1, $4  }
0x50: {  	[sflag:s12] =	ssyncset.done $0x0  }
0x51: {  	[sflag:s12] =	ssyncadd.s32 $0xFFFF8000  }
0x52: {  	s31 =	sadd.s32 $0xFFFFFFFF, s31;
	_ =	swait.ge [sflag:s7], $0x8000  }
0x53: {  	p0 =	por $0x1, $0x1;
	s0 =	rddreg [dreg:$0x7];
	[sflag:s7] =	ssyncset.done $0x0  }
.LBB2_2:
0x54: {  	[sflag:s7] =	ssyncadd.s32 $0xFFFF8000  }
0x55: {  	[tilespmem:s2], [sflag:$0x7] =	stream.linear.gather [hbm4b:s0+s2], $0x200, $0x38;
	[tilespmem:$0x18400] =	vst v63  }
0x56: {  	_ =	swait.ge [sflag:s23], $0x200  }
0x57: {  	[sflag:s23] =	ssyncset.done $0x0  }
0x58: {  	[sflag:s23] =	ssyncadd.s32 $0xFFFFFE00  }
0x59: {  	[tilespmem:s20], [sflag:$0x7] =	stream.linear.gather [hbm4b:s21+s2], $0x200, $0x38;
	[tilespmem:$0x18400] =	vst v63  }
0x5a: {  	_ =	swait.ge [sflag:s23], $0x200  }
0x5b: {  	[sflag:s23] =	ssyncset.done $0x0  }
0x5c: {  	[sflag:s23] =	ssyncadd.s32 $0xFFFFFE00  }
0x5d: {  	[tilespmem:s5], [sflag:$0x1] =	stream.indirect.gather [hbm4b:s8+s16], $0x80, s2, s16, $0xb8;
	[tilespmem:$0x18400] =	vst v63  }
0x5e: {  	_ = 	snop  }
0x5f: {  	[tilespmem:s17], [sflag:$0x1] =	stream.indirect.gather [hbm4b:s8+s16], $0x80, s16, s16, $0xb8;
	[tilespmem:$0x18400] =	vst v63  }
0x60: {  	_ = 	snop  }
0x61: {  	[tilespmem:s14], [sflag:$0x2] =	stream.indirect.gather [hbm4b:s8+s16], $0x80, s25, s16, $0xb8;
	[tilespmem:$0x18400] =	vst v63  }
0x62: {  	_ = 	snop  }
0x63: {  	[tilespmem:s28], [sflag:$0x2] =	stream.indirect.gather [hbm4b:s8+s16], $0x80, s26, s16, $0xb8;
	[tilespmem:$0x18400] =	vst v63  }
0x64: {  	_ = 	snop  }
0x65: {  	[tilespmem:s11], [sflag:$0x3] =	stream.indirect.gather [hbm4b:s3+s16], $0x80, s20, s16, $0xb8;
	[tilespmem:$0x18400] =	vst v63  }
0x66: {  	_ = 	snop  }
0x67: {  	[tilespmem:s30], [sflag:$0x3] =	stream.indirect.gather [hbm4b:s3+s16], $0x80, s29, s16, $0xb8;
	[tilespmem:$0x18400] =	vst v63  }
0x68: {  	_ =	swait.ge [sflag:s10], $0x4000  }
0x69: {  	[sflag:s10] =	ssyncset.done $0x0  }
0x6a: {  	[sflag:s10] =	ssyncadd.s32 $0xFFFFC000  }
0x6b: {  	_ =	swait.ge [sflag:s10], $0x4000  }
0x6c: {  	[sflag:s10] =	ssyncset.done $0x0  }
0x6d: {  	[sflag:s10] =	ssyncadd.s32 $0xFFFFC000  }
0x6e: {  	[hbm4b:s15+s2] =	stream.linear.scatter [tilespmem:s5], [sflag:$0x4], $0x8000, $0x38;
	[tilespmem:$0x18400] =	vst v63  }
0x6f: {  	_ =	swait.ge [sflag:s7], $0x8000  }
0x70: {  	[sflag:s7] =	ssyncset.done $0x0  }
0x71: {  	[sflag:s7] =	ssyncadd.s32 $0xFFFF8000  }
0x72: {  	[tilespmem:s5], [sflag:$0x1] =	stream.indirect.gather [hbm4b:s3+s16], $0x80, s22, s16, $0xb8;
	[tilespmem:$0x18400] =	vst v63  }
0x73: {  	_ = 	snop  }
0x74: {  	[tilespmem:s17], [sflag:$0x1] =	stream.indirect.gather [hbm4b:s3+s16], $0x80, s24, s16, $0xb8;
	[tilespmem:$0x18400] =	vst v63  }
0x75: {  	_ =	swait.ge [sflag:s19], $0x4000  }
0x76: {  	[sflag:s19] =	ssyncset.done $0x0  }
0x77: {  	[sflag:s19] =	ssyncadd.s32 $0xFFFFC000  }
0x78: {  	_ =	swait.ge [sflag:s19], $0x4000  }
0x79: {  	[sflag:s19] =	ssyncset.done $0x0  }
0x7a: {  	[sflag:s19] =	ssyncadd.s32 $0xFFFFC000  }
0x7b: {  	[hbm4b:s9+s2] =	stream.linear.scatter [tilespmem:s14], [sflag:$0x5], $0x8000, $0x38;
	[tilespmem:$0x18400] =	vst v63  }
0x7c: {  	_ =	swait.ge [sflag:s18], $0x4000  }
0x7d: {  	[sflag:s18] =	ssyncset.done $0x0  }
0x7e: {  	[sflag:s18] =	ssyncadd.s32 $0xFFFFC000  }
0x7f: {  	_ =	swait.ge [sflag:s18], $0x4000  }
0x80: {  	[sflag:s18] =	ssyncset.done $0x0  }
0x81: {  	[sflag:s18] =	ssyncadd.s32 $0xFFFFC000  }
0x82: {  	[hbm4b:s6+s2] =	stream.linear.scatter [tilespmem:s11], [sflag:$0x6], $0x8000, $0x38;
	[tilespmem:$0x18400] =	vst v63  }
0x83: {  	_ =	swait.ge [sflag:s10], $0x4000  }
0x84: {  	[sflag:s10] =	ssyncset.done $0x0  }
0x85: {  	[sflag:s10] =	ssyncadd.s32 $0xFFFFC000  }
0x86: {  	_ =	swait.ge [sflag:s10], $0x4000  }
0x87: {  	[sflag:s10] =	ssyncset.done $0x0  }
0x88: {  	[sflag:s10] =	ssyncadd.s32 $0xFFFFC000  }
0x89: {  	[hbm4b:s4+s2] =	stream.linear.scatter [tilespmem:s5], [sflag:$0x4], $0x8000, $0x38;
	[tilespmem:$0x18400] =	vst v63  }
0x8a: {  	_ =	swait.ge [sflag:s13], $0x8000  }
0x8b: {  	[sflag:s13] =	ssyncset.done $0x0  }
0x8c: {  	p1 =	sne.s32 s31, $0x1;
	[sflag:s13] =	ssyncadd.s32 $0xFFFF8000  }
.Ltmp2:
0x8d: {  	_ =	swait.ge [sflag:s12], $0x8000;
	(pc) =	sbr.rel @p1 .LBB2_2-.Ltmp2, $4  }
0x8e: {  	[sflag:s12] =	ssyncset.done $0x0  }
0x8f: {  	[sflag:s12] =	ssyncadd.s32 $0xFFFF8000  }
0x90: {  	_ =	swait.ge [sflag:s7], $0x8000  }
0x91: {  	s31 =	sadd.s32 $0xFFFFFFFF, s31;
	s0 =	rddreg [dreg:$0x7];
	[sflag:s7] =	ssyncset.done $0x0  }
.LBB2_3:
0x92: {  	[sflag:s7] =	ssyncadd.s32 @p0 $0xFFFF8000  }
0x93: {  	[tilespmem:s2], [sflag:$0x7] =	stream.linear.gather [hbm4b:s0+s2], $0x200, $0x38;
	[tilespmem:$0x18400] =	vst v63  }
0x94: {  	_ =	swait.ge [sflag:s23], $0x200  }
0x95: {  	[sflag:s23] =	ssyncset.done $0x0  }
0x96: {  	[sflag:s23] =	ssyncadd.s32 $0xFFFFFE00  }
0x97: {  	[tilespmem:s20], [sflag:$0x7] =	stream.linear.gather [hbm4b:s21+s2], $0x200, $0x38;
	[tilespmem:$0x18400] =	vst v63  }
0x98: {  	_ =	swait.ge [sflag:s23], $0x200  }
0x99: {  	[sflag:s23] =	ssyncset.done $0x0  }
0x9a: {  	[sflag:s23] =	ssyncadd.s32 $0xFFFFFE00  }
0x9b: {  	[tilespmem:s5], [sflag:$0x1] =	stream.indirect.gather [hbm4b:s8+s16], $0x80, s2, s16, $0xb8;
	[tilespmem:$0x18400] =	vst v63  }
0x9c: {  	_ = 	snop  }
0x9d: {  	[tilespmem:s17], [sflag:$0x1] =	stream.indirect.gather [hbm4b:s8+s16], $0x80, s16, s16, $0xb8;
	[tilespmem:$0x18400] =	vst v63  }
0x9e: {  	_ = 	snop  }
0x9f: {  	[tilespmem:s14], [sflag:$0x2] =	stream.indirect.gather [hbm4b:s8+s16], $0x80, s25, s16, $0xb8;
	[tilespmem:$0x18400] =	vst v63  }
0xa0: {  	_ = 	snop  }
0xa1: {  	[tilespmem:s28], [sflag:$0x2] =	stream.indirect.gather [hbm4b:s8+s16], $0x80, s26, s16, $0xb8;
	[tilespmem:$0x18400] =	vst v63  }
0xa2: {  	_ = 	snop  }
0xa3: {  	[tilespmem:s11], [sflag:$0x3] =	stream.indirect.gather [hbm4b:s3+s16], $0x80, s20, s16, $0xb8;
	[tilespmem:$0x18400] =	vst v63  }
0xa4: {  	_ = 	snop  }
0xa5: {  	[tilespmem:s30], [sflag:$0x3] =	stream.indirect.gather [hbm4b:s3+s16], $0x80, s29, s16, $0xb8;
	[tilespmem:$0x18400] =	vst v63  }
0xa6: {  	_ =	swait.ge [sflag:s10], $0x4000  }
0xa7: {  	[sflag:s10] =	ssyncset.done $0x0  }
0xa8: {  	[sflag:s10] =	ssyncadd.s32 $0xFFFFC000  }
0xa9: {  	_ =	swait.ge [sflag:s10], $0x4000  }
0xaa: {  	[sflag:s10] =	ssyncset.done $0x0  }
0xab: {  	[sflag:s10] =	ssyncadd.s32 $0xFFFFC000  }
0xac: {  	[hbm4b:s15+s2] =	stream.linear.scatter [tilespmem:s5], [sflag:$0x4], $0x8000, $0x38;
	[tilespmem:$0x18400] =	vst v63  }
0xad: {  	_ =	swait.ge [sflag:s7], $0x8000  }
0xae: {  	[sflag:s7] =	ssyncset.done $0x0  }
0xaf: {  	[sflag:s7] =	ssyncadd.s32 $0xFFFF8000  }
0xb0: {  	[tilespmem:s5], [sflag:$0x1] =	stream.indirect.gather [hbm4b:s3+s16], $0x80, s22, s16, $0xb8;
	[tilespmem:$0x18400] =	vst v63  }
0xb1: {  	_ = 	snop  }
0xb2: {  	[tilespmem:s17], [sflag:$0x1] =	stream.indirect.gather [hbm4b:s3+s16], $0x80, s24, s16, $0xb8;
	[tilespmem:$0x18400] =	vst v63  }
0xb3: {  	_ =	swait.ge [sflag:s19], $0x4000  }
0xb4: {  	[sflag:s19] =	ssyncset.done $0x0  }
0xb5: {  	[sflag:s19] =	ssyncadd.s32 $0xFFFFC000  }
0xb6: {  	_ =	swait.ge [sflag:s19], $0x4000  }
0xb7: {  	[sflag:s19] =	ssyncset.done $0x0  }
0xb8: {  	[sflag:s19] =	ssyncadd.s32 $0xFFFFC000  }
0xb9: {  	[hbm4b:s9+s2] =	stream.linear.scatter [tilespmem:s14], [sflag:$0x5], $0x8000, $0x38;
	[tilespmem:$0x18400] =	vst v63  }
0xba: {  	_ =	swait.ge [sflag:s18], $0x4000  }
0xbb: {  	[sflag:s18] =	ssyncset.done $0x0  }
0xbc: {  	[sflag:s18] =	ssyncadd.s32 $0xFFFFC000  }
0xbd: {  	_ =	swait.ge [sflag:s18], $0x4000  }
0xbe: {  	[sflag:s18] =	ssyncset.done $0x0  }
0xbf: {  	[sflag:s18] =	ssyncadd.s32 $0xFFFFC000  }
0xc0: {  	[hbm4b:s6+s2] =	stream.linear.scatter [tilespmem:s11], [sflag:$0x6], $0x8000, $0x38;
	[tilespmem:$0x18400] =	vst v63  }
0xc1: {  	_ =	swait.ge [sflag:s10], $0x4000  }
0xc2: {  	[sflag:s10] =	ssyncset.done $0x0  }
0xc3: {  	[sflag:s10] =	ssyncadd.s32 $0xFFFFC000  }
0xc4: {  	_ =	swait.ge [sflag:s10], $0x4000  }
0xc5: {  	[sflag:s10] =	ssyncset.done $0x0  }
0xc6: {  	[sflag:s10] =	ssyncadd.s32 $0xFFFFC000  }
0xc7: {  	[hbm4b:s4+s2] =	stream.linear.scatter [tilespmem:s5], [sflag:$0x4], $0x8000, $0x38;
	[tilespmem:$0x18400] =	vst v63  }
0xc8: {  	_ =	swait.ge [sflag:s13], $0x8000  }
0xc9: {  	[sflag:s13] =	ssyncset.done $0x0  }
0xca: {  	[sflag:s13] =	ssyncadd.s32 $0xFFFF8000  }
0xcb: {  	_ =	swait.ge [sflag:s12], $0x8000  }
0xcc: {  	[sflag:s12] =	ssyncset.done $0x0  }
0xcd: {  	[sflag:s12] =	ssyncadd.s32 $0xFFFF8000  }
0xce: {  	_ =	swait.ge [sflag:s7], $0x8000  }
0xcf: {  	[sflag:s7] =	ssyncset.done $0x0  }
0xd0: {  	[sflag:s7] =	ssyncadd.s32 $0xFFFF8000  }
0xd1: {  	_ =	sfence.sel $0x180000  }
0xd2: {  	[bflag:$0x0] =	sbarrier.arrive $0xFFFF  }
0xd3: {  	_ =	strace $0x90000047  }
0xd4: {  	[bflag:$0x2] =	sbarrier.arrive $0xFFFF  }
0xd5: {  	p0 =	sne.s32 s1, $0x0;
	s0 =	rddreg [dreg:$0x6]  }
0xd6: {  	s0 =	sadd.s32 @!p0 $0x100000, s0  }
0xd7: {  	[sflag:s0] =	ssyncadd.tile.s32 @!p0 $0x1;
	_ =	shalt  }
.Lfunc_end2:
_tile_overlayer_lowered:
.L_overlay_start_2:
0xd8: {  	(tag) =	ssettag $0x2  }
0xd9: {  	s0 =	rddreg [dreg:$0x0];
	s2 =	stileid.u32  }
0xda: {  	s1 =	rddreg [dreg:$0x1];
	p0 =	sne.s32 s2, $0x0  }
0xdb: {  	s3 =	rddreg [dreg:$0x2];
	[bflag:$0x3] =	sbarrier.arrive $0xFFFF;
	s2 =	simm.s32 @!p0 $0x1C07  }
0xdc: {  	[timem:s3], [sflag:s2] =	dma.local @!p0 [hbm:s0], s1  }
0xdd: {  	s0 =	simm.s32 @!p0 $0x7  }
0xde: {  	_ =	swait.ge @!p0 [sflag:s0], s1  }
0xdf: {  	s1 =	ssub.s32 @!p0 $0x0, s1;
	[sflag:s0] =	ssyncset.done @!p0 $0x0  }
0xe0: {  	[sflag:s0] =	ssyncadd.s32 @!p0 s1  }
0xe1: {  	[bflag:$0x3] =	sbarrier.arrive $0xFFFF  }
0xe2: {  	_ =	shalt  }

</sc_bundles>
